<compile_context>
chip_gen: v7x
topology: tpu7x:2x2x1
jax: 0.10.2.dev20260603
libtpu: 0.0.44.dev20260713+nightly
codegen_flags: <defaults>
</compile_context>

<pallas_src>
import functools

import jax
import jax.numpy as jnp
from jax import lax
from jax.experimental import pallas as pl
from jax.experimental.pallas import tpu as pltpu
from jax.experimental.pallas import tpu_sc as plsc

N = 16384
C = 512
ROW = 2 * C
NC, NS, L = 2, 16, 16
NW = NC * NS
N_PER_W = N // NW
CHUNK = 32
NCHUNK = N_PER_W // CHUNK
NBUF = 2
CW = CHUNK * ROW
TBL = 64 * 64
PRM = 144


def _sc_body(x_hbm, prm_hbm, out_hbm, buf, tbl, prm, outv, accb, sem):
    wid = lax.axis_index("s") * NC + lax.axis_index("c")
    base_row = wid * N_PER_W
    lane = lax.iota(jnp.int32, 16)

    def fire(k):
        src = x_hbm.at[pl.ds((base_row + k * CHUNK) * ROW, CW)]
        dst = buf.at[pl.ds(pl.multiple_of((k % NBUF) * CW, 16), CW)]
        pltpu.async_copy(src, dst, sem)

    for b in range(NBUF):
        fire(b)

    pltpu.sync_copy(prm_hbm, prm)
    itau = prm[pl.ds(128, 16)][0]

    def table_body(i, carry):
        t = i * 16 + lane
        a = lax.shift_right_logical(t, 6)
        b = jnp.bitwise_and(t, 63)
        d = jnp.bitwise_and(b - a, 127)
        lw = plsc.load_gather(prm, [d])
        m = (62 - jnp.minimum(a, b)).astype(jnp.float32)
        tbl[pl.ds(pl.multiple_of(i * 16, 16), 16)] = jnp.exp(lw - (2.0 - m) * itau)
        return carry

    lax.fori_loop(0, TBL // 16, table_body, 0)

    zero = jnp.zeros((16,), jnp.float32)

    def compute(k, boff):
        @plsc.parallel_loop(0, CHUNK // 4)
        def rows(r4):
            off0 = boff + 4 * r4 * ROW

            @plsc.parallel_loop(0, C // 16, step=1, unroll=2,
                                carry=(zero, zero, zero, zero))
            def accs(m, acc_in):
                base_o = pl.multiple_of(
                    m * 16 + lax.shift_right_logical(m, 3) * 128, 16)
                acc_out = []
                for t in range(4):
                    o = off0 + t * ROW + base_o
                    v0 = buf[pl.ds(o, 16)]
                    v1 = buf[pl.ds(o + 128, 16)]
                    u0 = (v0 * 63.0).astype(jnp.int32)
                    u1 = (v1 * 63.0).astype(jnp.int32)
                    comb = u0 * 64 + u1
                    acc_out.append(acc_in[t] + plsc.load_gather(tbl, [comb]))
                return tuple(acc_out)

            for t in range(4):
                accb[pl.ds(pl.multiple_of((4 * r4 + t) * 16, 16), 16)] = accs[t]

        for g in range(CHUNK // 16):
            stage = zero
            for r in range(16):
                s = jnp.sum(accb[pl.ds((g * 16 + r) * 16, 16)])
                stage = jnp.where(lane == r, s, stage)
            outv[pl.ds(pl.multiple_of(k * CHUNK + g * 16, 16), 16)] = stage

    def chunk_body(k, carry):
        pltpu.make_async_copy(
            x_hbm.at[pl.ds(0, CW)], buf.at[pl.ds(0, CW)], sem).wait()
        boff = pl.multiple_of((k % NBUF) * CW, 16)
        compute(k, boff)

        @pl.when(k < NCHUNK - NBUF)
        def _():
            fire(k + NBUF)

        return carry

    lax.fori_loop(0, NCHUNK, chunk_body, 0)
    pltpu.sync_copy(outv, out_hbm.at[pl.ds(base_row, N_PER_W)])


@jax.jit
def kernel(x, log_w, tau_s):
    itau = 1.0 / tau_s
    prm = jnp.concatenate(
        [log_w.astype(jnp.float32),
         jnp.stack([itau, -2.0 * itau]).astype(jnp.float32),
         jnp.zeros((PRM - 130,), jnp.float32)])
    mesh = plsc.VectorSubcoreMesh(core_axis_name="c", subcore_axis_name="s",
                                  num_cores=NC, num_subcores=NS)
    run = pl.kernel(
        _sc_body,
        out_type=jax.ShapeDtypeStruct((N,), jnp.float32),
        mesh=mesh,
        compiler_params=pltpu.CompilerParams(needs_layout_passes=False),
        scratch_types=[
            pltpu.VMEM((NBUF * CW,), jnp.float32),
            pltpu.VMEM((TBL,), jnp.float32),
            pltpu.VMEM((PRM,), jnp.float32),
            pltpu.VMEM((N_PER_W,), jnp.float32),
            pltpu.VMEM((CHUNK * 16,), jnp.float32),
            pltpu.SemaphoreType.DMA,
        ],
    )
    xn = jnp.transpose(x.reshape(N, 2, 4, 128), (0, 2, 1, 3))
    out = run(xn.reshape(-1), prm)
    return out.reshape(N, 1)

# --- scband reference (transcript-rebuilt; emitter-appended) ---
"""Pipeline reference for scband-abstract-l2-net-5660766896816 (READ-ONLY COPY).

The authoritative reference and input builder live on the scoring server;
editing this copy changes nothing except your own understanding.
"""

import jax, jax.numpy as jnp
import numpy as np

TIME_STEPS = 64
JEFFRESS_RADIUS = 64
JEFFRESS_COMPRESSION = 1
INPUT_WINDOW = (0.0, 1.0)
OUTPUT_WINDOW = (1.0, 2.0)
J_OUT_SHAPE = 2 * ((JEFFRESS_RADIUS - 1) // JEFFRESS_COMPRESSION + 1)  # 128


def setup_inputs(seed: int = 0) -> dict:
    key = jax.random.key(seed)
    kx, = jax.random.split(key, 1)
    x = jax.random.uniform(kx, (16384, 2, 512), dtype=jnp.float32)
    # learned parameters (match torch init: ones, 10.0)
    log_w = jnp.ones((J_OUT_SHAPE,), dtype=jnp.float32)
    tau_s = jnp.asarray(10.0, dtype=jnp.float32)
    return {"x": x, "log_w": log_w, "tau_s": tau_s}


def reference(x, log_w, tau_s):
    # x: [N, 2, C] in [0, 1]
    xt = (INPUT_WINDOW[1] - x) * (TIME_STEPS - 1)
    xt = jnp.floor(xt)
    diff = xt[..., 0, :] - xt[..., 1, :]
    diff = jnp.floor(diff)
    jeffress_spk_out_time = jnp.max(xt, axis=-2)
    # torch negative indexing wraps for idx in [-size, size-1]; emulate with mod
    idx = jnp.mod(diff.astype(jnp.int32), J_OUT_SHAPE)
    log_current = jnp.take(log_w, idx, axis=0)
    current = jnp.exp(log_current - (OUTPUT_WINDOW[1] - jeffress_spk_out_time) * (1.0 / tau_s))
    return jnp.sum(current, axis=-1, keepdims=True)

if __name__ == "__main__":
    import jax
    _d = setup_inputs()
    print(jax.jit(kernel)(*tuple(_d.values())))

</pallas_src>

<mosaic_0001>
#map = affine_map<(d0, d1) -> (0)>
module attributes {stable_mosaic.version = 14 : i64} {
  func.func @_sc_body(%arg0: i32, %arg1: i32, %arg2: memref<16777216xf32, #tpu.memory_space<hbm>>, %arg3: memref<144xf32, #tpu.memory_space<hbm>>, %arg4: memref<16384xf32, #tpu.memory_space<hbm>>, %arg5: memref<65536xf32, #tpu.memory_space<vmem>>, %arg6: memref<4096xf32, #tpu.memory_space<vmem>>, %arg7: memref<144xf32, #tpu.memory_space<vmem>>, %arg8: memref<512xf32, #tpu.memory_space<vmem>>, %arg9: memref<512xf32, #tpu.memory_space<vmem>>, %arg10: memref<!tpu.dma_semaphore, #tpu.memory_space<semaphore_mem>>) attributes {dimension_semantics = [#tpu.dimension_semantics<core_parallel>, #tpu.dimension_semantics<subcore_parallel>], iteration_bounds = array<i64: 2, 16>, scalar_prefetch = 0 : i64, scratch_operands = 6 : i64, tpu.core_type = #tpu.core_type<sc_vector_subcore>, window_params = [{transform_indices = #map}, {transform_indices = #map}, {transform_indices = #map}]} {
    %mul3A = arith.constant 2 : i32
    %mul3A_0 = arith.muli %arg1, %mul3A : i32
    %add3A = arith.addi %mul3A_0, %arg0 : i32
    %mul3A_1 = arith.constant 512 : i32
    %mul3A_2 = arith.muli %add3A, %mul3A_1 : i32
    %iota3A = tpu.iota {dimensions = array<i32: 0>} : vector<16xi32>
    %add3A_3 = arith.constant 0 : i32
    %add3A_4 = arith.addi %mul3A_2, %add3A_3 : i32
    %mul3A_5 = arith.constant 1024 : i32
    %mul3A_6 = arith.muli %add3A_4, %mul3A_5 : i32
    %multiple_of3A = arith.constant 0 : i32
    %multiple_of3A_7 = tpu.assume_multiple %multiple_of3A, 16 : i32
    %dma_start3A = tpu.memref_slice %arg5[%multiple_of3A_7] : memref<65536xf32, #tpu.memory_space<vmem>> -> memref<32768xf32, #tpu.memory_space<vmem>>
    %dma_start3A_8 = tpu.memref_slice %arg2[%mul3A_6] : memref<16777216xf32, #tpu.memory_space<hbm>> -> memref<32768xf32, #tpu.memory_space<hbm>>
    %dma_start3A_9 = tpu.memref_slice %arg5[%multiple_of3A_7] : memref<65536xf32, #tpu.memory_space<vmem>> -> memref<32768xf32, #tpu.memory_space<vmem>>
    %dma_start3A_10 = tpu.memref_slice %arg2[%mul3A_6] : memref<16777216xf32, #tpu.memory_space<hbm>> -> memref<32768xf32, #tpu.memory_space<hbm>>
    tpu.enqueue_dma source(%dma_start3A_10 : memref<32768xf32, #tpu.memory_space<hbm>>) target(%dma_start3A_9 : memref<32768xf32, #tpu.memory_space<vmem>>) target_semaphore(%arg10 : memref<!tpu.dma_semaphore, #tpu.memory_space<semaphore_mem>>)
    %add3A_11 = arith.constant 32 : i32
    %add3A_12 = arith.addi %mul3A_2, %add3A_11 : i32
    %mul3A_13 = arith.constant 1024 : i32
    %mul3A_14 = arith.muli %add3A_12, %mul3A_13 : i32
    %multiple_of3A_15 = arith.constant 32768 : i32
    %multiple_of3A_16 = tpu.assume_multiple %multiple_of3A_15, 16 : i32
    %dma_start3A_17 = tpu.memref_slice %arg5[%multiple_of3A_16] : memref<65536xf32, #tpu.memory_space<vmem>> -> memref<32768xf32, #tpu.memory_space<vmem>>
    %dma_start3A_18 = tpu.memref_slice %arg2[%mul3A_14] : memref<16777216xf32, #tpu.memory_space<hbm>> -> memref<32768xf32, #tpu.memory_space<hbm>>
    %dma_start3A_19 = tpu.memref_slice %arg5[%multiple_of3A_16] : memref<65536xf32, #tpu.memory_space<vmem>> -> memref<32768xf32, #tpu.memory_space<vmem>>
    %dma_start3A_20 = tpu.memref_slice %arg2[%mul3A_14] : memref<16777216xf32, #tpu.memory_space<hbm>> -> memref<32768xf32, #tpu.memory_space<hbm>>
    tpu.enqueue_dma source(%dma_start3A_20 : memref<32768xf32, #tpu.memory_space<hbm>>) target(%dma_start3A_19 : memref<32768xf32, #tpu.memory_space<vmem>>) target_semaphore(%arg10 : memref<!tpu.dma_semaphore, #tpu.memory_space<semaphore_mem>>)
    "tpu.region"() ({
      %run_scoped3A = tpu.sem_alloc : memref<!tpu.dma_semaphore, #tpu.memory_space<semaphore_mem>>
      tpu.enqueue_dma source(%arg3 : memref<144xf32, #tpu.memory_space<hbm>>) target(%arg7 : memref<144xf32, #tpu.memory_space<vmem>>) target_semaphore(%run_scoped3A : memref<!tpu.dma_semaphore, #tpu.memory_space<semaphore_mem>>)
      tpu.wait_dma2 semaphore(%run_scoped3A : memref<!tpu.dma_semaphore, #tpu.memory_space<semaphore_mem>>) src(%arg3 : memref<144xf32, #tpu.memory_space<hbm>>) dst(%arg7 : memref<144xf32, #tpu.memory_space<vmem>>)
      tpu.yield
    }) : () -> ()
    %get3A = arith.constant 128 : index
    %get3A_21 = tpu.vector_load %arg7[%get3A] {strides = array<i32>} : memref<144xf32, #tpu.memory_space<vmem>>, vector<16xf32>,
    %slice3A = vector.extract_strided_slice %get3A_21 {offsets = [0], sizes = [1], strides = [1]} : vector<16xf32> to vector<1xf32>
    %squeeze3A = vector.extract %slice3A[0] : f32 from vector<1xf32>
    %scan3A = arith.constant 0 : i32
    %scan3A_22 = arith.constant 0 : i32
    %scan3A_23 = arith.constant 256 : i32
    %scan3A_24 = arith.addi %scan3A_22, %scan3A_23 : i32
    %scan3A_25 = arith.constant 1 : i32
    scf.for %scan3A_34 = %scan3A_22 to %scan3A_24 step %scan3A_25  : i32 {
      %mul3A_35 = arith.constant 16 : i32
      %mul3A_36 = arith.muli %scan3A_34, %mul3A_35 : i32
      %add3A_37 = vector.broadcast %mul3A_36 : i32 to vector<16xi32>
      %add3A_38 = arith.addi %add3A_37, %iota3A : vector<16xi32>
      %shift_right_logical3A = arith.constant 6 : i32
      %shift_right_logical3A_39 = vector.broadcast %shift_right_logical3A : i32 to vector<16xi32>
      %shift_right_logical3A_40 = arith.shrui %add3A_38, %shift_right_logical3A_39 : vector<16xi32>
      %and3A = arith.constant 63 : i32
      %and3A_41 = vector.broadcast %and3A : i32 to vector<16xi32>
      %and3A_42 = arith.andi %add3A_38, %and3A_41 : vector<16xi32>
      %sub3A = arith.subi %and3A_42, %shift_right_logical3A_40 : vector<16xi32>
      %and3A_43 = arith.constant 127 : i32
      %and3A_44 = vector.broadcast %and3A_43 : i32 to vector<16xi32>
      %and3A_45 = arith.andi %sub3A, %and3A_44 : vector<16xi32>
      %gather3A = tpu.vector_load_idx %arg7[%and3A_45] : memref<144xf32, #tpu.memory_space<vmem>>[vector<16xi32>], vector<16xf32>,
      %min3A = arith.minsi %shift_right_logical3A_40, %and3A_42 : vector<16xi32>
      %sub3A_46 = arith.constant 62 : i32
      %sub3A_47 = vector.broadcast %sub3A_46 : i32 to vector<16xi32>
      %sub3A_48 = arith.subi %sub3A_47, %min3A : vector<16xi32>
      %convert_element_type3A = arith.sitofp %sub3A_48 : vector<16xi32> to vector<16xf32>
      %sub3A_49 = arith.constant 2.000000e+00 : f32
      %sub3A_50 = vector.broadcast %sub3A_49 : f32 to vector<16xf32>
      %sub3A_51 = arith.subf %sub3A_50, %convert_element_type3A : vector<16xf32>
      %mul3A_52 = vector.broadcast %squeeze3A : f32 to vector<16xf32>
      %mul3A_53 = arith.mulf %sub3A_51, %mul3A_52 : vector<16xf32>
      %sub3A_54 = arith.subf %gather3A, %mul3A_53 : vector<16xf32>
      %exp3A = math.exp %sub3A_54 : vector<16xf32>
      %mul3A_55 = arith.constant 16 : i32
      %mul3A_56 = arith.muli %scan3A_34, %mul3A_55 : i32
      %multiple_of3A_57 = tpu.assume_multiple %mul3A_56, 16 : i32
      %swap3A = arith.index_cast %multiple_of3A_57 : i32 to index
      %swap3A_58 = tpu.vector_load %arg6[%swap3A] {strides = array<i32>} : memref<4096xf32, #tpu.memory_space<vmem>>, vector<16xf32>,
      tpu.vector_store %arg6[%swap3A], %exp3A {strides = array<i32>} : memref<4096xf32, #tpu.memory_space<vmem>>, vector<16xf32>,
    }
    %scan3A_26 = arith.constant 256 : i32
    %broadcast_in_dim3A = arith.constant 0.000000e+00 : f32
    %broadcast_in_dim3A_27 = vector.broadcast %broadcast_in_dim3A : f32 to vector<16xf32>
    %scan3A_28 = arith.constant 0 : i32
    %scan3A_29 = arith.constant 0 : i32
    %scan3A_30 = arith.constant 16 : i32
    %scan3A_31 = arith.addi %scan3A_29, %scan3A_30 : i32
    %scan3A_32 = arith.constant 1 : i32
    scf.for %scan3A_34 = %scan3A_29 to %scan3A_31 step %scan3A_32  : i32 {
      %dma_wait3A = arith.constant 0 : i32
      %dma_wait3A_35 = tpu.memref_slice %arg5[%dma_wait3A] : memref<65536xf32, #tpu.memory_space<vmem>> -> memref<32768xf32, #tpu.memory_space<vmem>>
      %dma_wait3A_36 = arith.constant 0 : i32
      %dma_wait3A_37 = tpu.memref_slice %arg2[%dma_wait3A_36] : memref<16777216xf32, #tpu.memory_space<hbm>> -> memref<32768xf32, #tpu.memory_space<hbm>>
      %dma_wait3A_38 = arith.constant 0 : i32
      %dma_wait3A_39 = tpu.memref_slice %arg5[%dma_wait3A_38] : memref<65536xf32, #tpu.memory_space<vmem>> -> memref<32768xf32, #tpu.memory_space<vmem>>
      %dma_wait3A_40 = arith.constant 0 : i32
      %dma_wait3A_41 = tpu.memref_slice %arg2[%dma_wait3A_40] : memref<16777216xf32, #tpu.memory_space<hbm>> -> memref<32768xf32, #tpu.memory_space<hbm>>
      tpu.wait_dma2 semaphore(%arg10 : memref<!tpu.dma_semaphore, #tpu.memory_space<semaphore_mem>>) src(%dma_wait3A_41 : memref<32768xf32, #tpu.memory_space<hbm>>) dst(%dma_wait3A_39 : memref<32768xf32, #tpu.memory_space<vmem>>)
      %jit3A = arith.constant 2 : i32
      %eq3A = arith.constant 0 : i32
      %eq3A_42 = arith.cmpi eq, %jit3A, %eq3A : i32
      %jit3A_43 = arith.constant 1 : i32
      %select_n3A = arith.select %eq3A_42, %jit3A_43, %jit3A : i32
      %rem3A = arith.remsi %scan3A_34, %select_n3A : i32
      %ne3A = arith.constant 0 : i32
      %ne3A_44 = arith.cmpi ne, %rem3A, %ne3A : i32
      %lt3A = arith.constant 0 : i32
      %lt3A_45 = arith.cmpi slt, %rem3A, %lt3A : i32
      %lt3A_46 = arith.constant 0 : i32
      %lt3A_47 = arith.cmpi slt, %select_n3A, %lt3A_46 : i32
      %ne3A_48 = arith.xori %lt3A_45, %lt3A_47 : i1
      %and3A = arith.andi %ne3A_48, %ne3A_44 : i1
      %add3A_49 = arith.addi %rem3A, %select_n3A : i32
      %select_n3A_50 = arith.select %and3A, %add3A_49, %rem3A : i32
      %mul3A_51 = arith.constant 32768 : i32
      %mul3A_52 = arith.muli %select_n3A_50, %mul3A_51 : i32
      %multiple_of3A_53 = tpu.assume_multiple %mul3A_52, 16 : i32
      %parallel_loop3A = arith.constant 0 : i32
      %parallel_loop3A_54 = arith.constant 8 : i32
      %parallel_loop3A_55 = arith.constant 1 : i32
      scf.for %parallel_loop3A_423 = %parallel_loop3A to %parallel_loop3A_54 step %parallel_loop3A_55  : i32 {
        %parallel_loop3A_424 = arith.constant 4 : i32
        %parallel_loop3A_425 = arith.muli %parallel_loop3A_424, %parallel_loop3A_423 : i32
        %parallel_loop3A_426 = arith.constant 1024 : i32
        %parallel_loop3A_427 = arith.muli %parallel_loop3A_425, %parallel_loop3A_426 : i32
        %parallel_loop3A_428 = arith.addi %multiple_of3A_53, %parallel_loop3A_427 : i32
        %parallel_loop3A_429 = arith.constant 0 : i32
        %parallel_loop3A_430 = arith.constant 32 : i32
        %parallel_loop3A_431 = arith.constant 1 : i32
        %parallel_loop3A_432:4 = scf.for %parallel_loop3A_469 = %parallel_loop3A_429 to %parallel_loop3A_430 step %parallel_loop3A_431 iter_args(%parallel_loop3A_470 = %broadcast_in_dim3A_27, %parallel_loop3A_471 = %broadcast_in_dim3A_27, %parallel_loop3A_472 = %broadcast_in_dim3A_27, %parallel_loop3A_473 = %broadcast_in_dim3A_27) -> (vector<16xf32>, vector<16xf32>, vector<16xf32>, vector<16xf32>)  : i32 {
          %parallel_loop3A_474 = arith.constant 16 : i32
          %parallel_loop3A_475 = arith.muli %parallel_loop3A_469, %parallel_loop3A_474 : i32
          %parallel_loop3A_476 = arith.constant 3 : i32
          %parallel_loop3A_477 = arith.shrui %parallel_loop3A_469, %parallel_loop3A_476 : i32
          %parallel_loop3A_478 = arith.constant 128 : i32
          %parallel_loop3A_479 = arith.muli %parallel_loop3A_477, %parallel_loop3A_478 : i32
          %parallel_loop3A_480 = arith.addi %parallel_loop3A_475, %parallel_loop3A_479 : i32
          %parallel_loop3A_481 = tpu.assume_multiple %parallel_loop3A_480, 16 : i32
          %parallel_loop3A_482 = arith.constant 0 : i32
          %parallel_loop3A_483 = arith.addi %parallel_loop3A_428, %parallel_loop3A_482 : i32
          %parallel_loop3A_484 = arith.addi %parallel_loop3A_483, %parallel_loop3A_481 : i32
          %parallel_loop3A_485 = arith.index_cast %parallel_loop3A_484 : i32 to index
          %parallel_loop3A_486 = tpu.vector_load %arg5[%parallel_loop3A_485] {strides = array<i32>} : memref<65536xf32, #tpu.memory_space<vmem>>, vector<16xf32>,
          %parallel_loop3A_487 = arith.constant 128 : i32
          %parallel_loop3A_488 = arith.addi %parallel_loop3A_484, %parallel_loop3A_487 : i32
          %parallel_loop3A_489 = arith.index_cast %parallel_loop3A_488 : i32 to index
          %parallel_loop3A_490 = tpu.vector_load %arg5[%parallel_loop3A_489] {strides = array<i32>} : memref<65536xf32, #tpu.memory_space<vmem>>, vector<16xf32>,
          %parallel_loop3A_491 = arith.constant 6.300000e+01 : f32
          %parallel_loop3A_492 = vector.broadcast %parallel_loop3A_491 : f32 to vector<16xf32>
          %parallel_loop3A_493 = arith.mulf %parallel_loop3A_486, %parallel_loop3A_492 : vector<16xf32>
          %parallel_loop3A_494 = arith.fptosi %parallel_loop3A_493 : vector<16xf32> to vector<16xi32>
          %parallel_loop3A_495 = arith.constant 6.300000e+01 : f32
          %parallel_loop3A_496 = vector.broadcast %parallel_loop3A_495 : f32 to vector<16xf32>
          %parallel_loop3A_497 = arith.mulf %parallel_loop3A_490, %parallel_loop3A_496 : vector<16xf32>
          %parallel_loop3A_498 = arith.fptosi %parallel_loop3A_497 : vector<16xf32> to vector<16xi32>
          %parallel_loop3A_499 = arith.constant 64 : i32
          %parallel_loop3A_500 = vector.broadcast %parallel_loop3A_499 : i32 to vector<16xi32>
          %parallel_loop3A_501 = arith.muli %parallel_loop3A_494, %parallel_loop3A_500 : vector<16xi32>
          %parallel_loop3A_502 = arith.addi %parallel_loop3A_501, %parallel_loop3A_498 : vector<16xi32>
          %parallel_loop3A_503 = tpu.vector_load_idx %arg6[%parallel_loop3A_502] : memref<4096xf32, #tpu.memory_space<vmem>>[vector<16xi32>], vector<16xf32>,
          %parallel_loop3A_504 = arith.addf %parallel_loop3A_470, %parallel_loop3A_503 : vector<16xf32>
          %parallel_loop3A_505 = arith.constant 1024 : i32
          %parallel_loop3A_506 = arith.addi %parallel_loop3A_428, %parallel_loop3A_505 : i32
          %parallel_loop3A_507 = arith.addi %parallel_loop3A_506, %parallel_loop3A_481 : i32
          %parallel_loop3A_508 = arith.index_cast %parallel_loop3A_507 : i32 to index
          %parallel_loop3A_509 = tpu.vector_load %arg5[%parallel_loop3A_508] {strides = array<i32>} : memref<65536xf32, #tpu.memory_space<vmem>>, vector<16xf32>,
          %parallel_loop3A_510 = arith.constant 128 : i32
          %parallel_loop3A_511 = arith.addi %parallel_loop3A_507, %parallel_loop3A_510 : i32
          %parallel_loop3A_512 = arith.index_cast %parallel_loop3A_511 : i32 to index
          %parallel_loop3A_513 = tpu.vector_load %arg5[%parallel_loop3A_512] {strides = array<i32>} : memref<65536xf32, #tpu.memory_space<vmem>>, vector<16xf32>,
          %parallel_loop3A_514 = arith.constant 6.300000e+01 : f32
          %parallel_loop3A_515 = vector.broadcast %parallel_loop3A_514 : f32 to vector<16xf32>
          %parallel_loop3A_516 = arith.mulf %parallel_loop3A_509, %parallel_loop3A_515 : vector<16xf32>
          %parallel_loop3A_517 = arith.fptosi %parallel_loop3A_516 : vector<16xf32> to vector<16xi32>
          %parallel_loop3A_518 = arith.constant 6.300000e+01 : f32
          %parallel_loop3A_519 = vector.broadcast %parallel_loop3A_518 : f32 to vector<16xf32>
          %parallel_loop3A_520 = arith.mulf %parallel_loop3A_513, %parallel_loop3A_519 : vector<16xf32>
          %parallel_loop3A_521 = arith.fptosi %parallel_loop3A_520 : vector<16xf32> to vector<16xi32>
          %parallel_loop3A_522 = arith.constant 64 : i32
          %parallel_loop3A_523 = vector.broadcast %parallel_loop3A_522 : i32 to vector<16xi32>
          %parallel_loop3A_524 = arith.muli %parallel_loop3A_517, %parallel_loop3A_523 : vector<16xi32>
          %parallel_loop3A_525 = arith.addi %parallel_loop3A_524, %parallel_loop3A_521 : vector<16xi32>
          %parallel_loop3A_526 = tpu.vector_load_idx %arg6[%parallel_loop3A_525] : memref<4096xf32, #tpu.memory_space<vmem>>[vector<16xi32>], vector<16xf32>,
          %parallel_loop3A_527 = arith.addf %parallel_loop3A_471, %parallel_loop3A_526 : vector<16xf32>
          %parallel_loop3A_528 = arith.constant 2048 : i32
          %parallel_loop3A_529 = arith.addi %parallel_loop3A_428, %parallel_loop3A_528 : i32
          %parallel_loop3A_530 = arith.addi %parallel_loop3A_529, %parallel_loop3A_481 : i32
          %parallel_loop3A_531 = arith.index_cast %parallel_loop3A_530 : i32 to index
          %parallel_loop3A_532 = tpu.vector_load %arg5[%parallel_loop3A_531] {strides = array<i32>} : memref<65536xf32, #tpu.memory_space<vmem>>, vector<16xf32>,
          %parallel_loop3A_533 = arith.constant 128 : i32
          %parallel_loop3A_534 = arith.addi %parallel_loop3A_530, %parallel_loop3A_533 : i32
          %parallel_loop3A_535 = arith.index_cast %parallel_loop3A_534 : i32 to index
          %parallel_loop3A_536 = tpu.vector_load %arg5[%parallel_loop3A_535] {strides = array<i32>} : memref<65536xf32, #tpu.memory_space<vmem>>, vector<16xf32>,
          %parallel_loop3A_537 = arith.constant 6.300000e+01 : f32
          %parallel_loop3A_538 = vector.broadcast %parallel_loop3A_537 : f32 to vector<16xf32>
          %parallel_loop3A_539 = arith.mulf %parallel_loop3A_532, %parallel_loop3A_538 : vector<16xf32>
          %parallel_loop3A_540 = arith.fptosi %parallel_loop3A_539 : vector<16xf32> to vector<16xi32>
          %parallel_loop3A_541 = arith.constant 6.300000e+01 : f32
          %parallel_loop3A_542 = vector.broadcast %parallel_loop3A_541 : f32 to vector<16xf32>
          %parallel_loop3A_543 = arith.mulf %parallel_loop3A_536, %parallel_loop3A_542 : vector<16xf32>
          %parallel_loop3A_544 = arith.fptosi %parallel_loop3A_543 : vector<16xf32> to vector<16xi32>
          %parallel_loop3A_545 = arith.constant 64 : i32
          %parallel_loop3A_546 = vector.broadcast %parallel_loop3A_545 : i32 to vector<16xi32>
          %parallel_loop3A_547 = arith.muli %parallel_loop3A_540, %parallel_loop3A_546 : vector<16xi32>
          %parallel_loop3A_548 = arith.addi %parallel_loop3A_547, %parallel_loop3A_544 : vector<16xi32>
          %parallel_loop3A_549 = tpu.vector_load_idx %arg6[%parallel_loop3A_548] : memref<4096xf32, #tpu.memory_space<vmem>>[vector<16xi32>], vector<16xf32>,
          %parallel_loop3A_550 = arith.addf %parallel_loop3A_472, %parallel_loop3A_549 : vector<16xf32>
          %parallel_loop3A_551 = arith.constant 3072 : i32
          %parallel_loop3A_552 = arith.addi %parallel_loop3A_428, %parallel_loop3A_551 : i32
          %parallel_loop3A_553 = arith.addi %parallel_loop3A_552, %parallel_loop3A_481 : i32
          %parallel_loop3A_554 = arith.index_cast %parallel_loop3A_553 : i32 to index
          %parallel_loop3A_555 = tpu.vector_load %arg5[%parallel_loop3A_554] {strides = array<i32>} : memref<65536xf32, #tpu.memory_space<vmem>>, vector<16xf32>,
          %parallel_loop3A_556 = arith.constant 128 : i32
          %parallel_loop3A_557 = arith.addi %parallel_loop3A_553, %parallel_loop3A_556 : i32
          %parallel_loop3A_558 = arith.index_cast %parallel_loop3A_557 : i32 to index
          %parallel_loop3A_559 = tpu.vector_load %arg5[%parallel_loop3A_558] {strides = array<i32>} : memref<65536xf32, #tpu.memory_space<vmem>>, vector<16xf32>,
          %parallel_loop3A_560 = arith.constant 6.300000e+01 : f32
          %parallel_loop3A_561 = vector.broadcast %parallel_loop3A_560 : f32 to vector<16xf32>
          %parallel_loop3A_562 = arith.mulf %parallel_loop3A_555, %parallel_loop3A_561 : vector<16xf32>
          %parallel_loop3A_563 = arith.fptosi %parallel_loop3A_562 : vector<16xf32> to vector<16xi32>
          %parallel_loop3A_564 = arith.constant 6.300000e+01 : f32
          %parallel_loop3A_565 = vector.broadcast %parallel_loop3A_564 : f32 to vector<16xf32>
          %parallel_loop3A_566 = arith.mulf %parallel_loop3A_559, %parallel_loop3A_565 : vector<16xf32>
          %parallel_loop3A_567 = arith.fptosi %parallel_loop3A_566 : vector<16xf32> to vector<16xi32>
          %parallel_loop3A_568 = arith.constant 64 : i32
          %parallel_loop3A_569 = vector.broadcast %parallel_loop3A_568 : i32 to vector<16xi32>
          %parallel_loop3A_570 = arith.muli %parallel_loop3A_563, %parallel_loop3A_569 : vector<16xi32>
          %parallel_loop3A_571 = arith.addi %parallel_loop3A_570, %parallel_loop3A_567 : vector<16xi32>
          %parallel_loop3A_572 = tpu.vector_load_idx %arg6[%parallel_loop3A_571] : memref<4096xf32, #tpu.memory_space<vmem>>[vector<16xi32>], vector<16xf32>,
          %parallel_loop3A_573 = arith.addf %parallel_loop3A_473, %parallel_loop3A_572 : vector<16xf32>
          scf.yield %parallel_loop3A_504, %parallel_loop3A_527, %parallel_loop3A_550, %parallel_loop3A_573 : vector<16xf32>, vector<16xf32>, vector<16xf32>, vector<16xf32>
        } {sc.loop_unroll_factor = 2 : i64, sc.parallel_access}
        %parallel_loop3A_433 = arith.constant 4 : i32
        %parallel_loop3A_434 = arith.muli %parallel_loop3A_433, %parallel_loop3A_423 : i32
        %parallel_loop3A_435 = arith.constant 0 : i32
        %parallel_loop3A_436 = arith.addi %parallel_loop3A_434, %parallel_loop3A_435 : i32
        %parallel_loop3A_437 = arith.constant 16 : i32
        %parallel_loop3A_438 = arith.muli %parallel_loop3A_436, %parallel_loop3A_437 : i32
        %parallel_loop3A_439 = tpu.assume_multiple %parallel_loop3A_438, 16 : i32
        %parallel_loop3A_440 = arith.index_cast %parallel_loop3A_439 : i32 to index
        %parallel_loop3A_441 = tpu.vector_load %arg9[%parallel_loop3A_440] {strides = array<i32>} : memref<512xf32, #tpu.memory_space<vmem>>, vector<16xf32>,
        tpu.vector_store %arg9[%parallel_loop3A_440], %parallel_loop3A_432#0 {strides = array<i32>} : memref<512xf32, #tpu.memory_space<vmem>>, vector<16xf32>,
        %parallel_loop3A_442 = arith.constant 4 : i32
        %parallel_loop3A_443 = arith.muli %parallel_loop3A_442, %parallel_loop3A_423 : i32
        %parallel_loop3A_444 = arith.constant 1 : i32
        %parallel_loop3A_445 = arith.addi %parallel_loop3A_443, %parallel_loop3A_444 : i32
        %parallel_loop3A_446 = arith.constant 16 : i32
        %parallel_loop3A_447 = arith.muli %parallel_loop3A_445, %parallel_loop3A_446 : i32
        %parallel_loop3A_448 = tpu.assume_multiple %parallel_loop3A_447, 16 : i32
        %parallel_loop3A_449 = arith.index_cast %parallel_loop3A_448 : i32 to index
        %parallel_loop3A_450 = tpu.vector_load %arg9[%parallel_loop3A_449] {strides = array<i32>} : memref<512xf32, #tpu.memory_space<vmem>>, vector<16xf32>,
        tpu.vector_store %arg9[%parallel_loop3A_449], %parallel_loop3A_432#1 {strides = array<i32>} : memref<512xf32, #tpu.memory_space<vmem>>, vector<16xf32>,
        %parallel_loop3A_451 = arith.constant 4 : i32
        %parallel_loop3A_452 = arith.muli %parallel_loop3A_451, %parallel_loop3A_423 : i32
        %parallel_loop3A_453 = arith.constant 2 : i32
        %parallel_loop3A_454 = arith.addi %parallel_loop3A_452, %parallel_loop3A_453 : i32
        %parallel_loop3A_455 = arith.constant 16 : i32
        %parallel_loop3A_456 = arith.muli %parallel_loop3A_454, %parallel_loop3A_455 : i32
        %parallel_loop3A_457 = tpu.assume_multiple %parallel_loop3A_456, 16 : i32
        %parallel_loop3A_458 = arith.index_cast %parallel_loop3A_457 : i32 to index
        %parallel_loop3A_459 = tpu.vector_load %arg9[%parallel_loop3A_458] {strides = array<i32>} : memref<512xf32, #tpu.memory_space<vmem>>, vector<16xf32>,
        tpu.vector_store %arg9[%parallel_loop3A_458], %parallel_loop3A_432#2 {strides = array<i32>} : memref<512xf32, #tpu.memory_space<vmem>>, vector<16xf32>,
        %parallel_loop3A_460 = arith.constant 4 : i32
        %parallel_loop3A_461 = arith.muli %parallel_loop3A_460, %parallel_loop3A_423 : i32
        %parallel_loop3A_462 = arith.constant 3 : i32
        %parallel_loop3A_463 = arith.addi %parallel_loop3A_461, %parallel_loop3A_462 : i32
        %parallel_loop3A_464 = arith.constant 16 : i32
        %parallel_loop3A_465 = arith.muli %parallel_loop3A_463, %parallel_loop3A_464 : i32
        %parallel_loop3A_466 = tpu.assume_multiple %parallel_loop3A_465, 16 : i32
        %parallel_loop3A_467 = arith.index_cast %parallel_loop3A_466 : i32 to index
        %parallel_loop3A_468 = tpu.vector_load %arg9[%parallel_loop3A_467] {strides = array<i32>} : memref<512xf32, #tpu.memory_space<vmem>>, vector<16xf32>,
        tpu.vector_store %arg9[%parallel_loop3A_467], %parallel_loop3A_432#3 {strides = array<i32>} : memref<512xf32, #tpu.memory_space<vmem>>, vector<16xf32>,
      } {sc.loop_unroll_factor = 1 : i64, sc.parallel_access}
      %get3A_56 = arith.constant 0 : index
      %get3A_57 = tpu.vector_load %arg9[%get3A_56] {strides = array<i32>} : memref<512xf32, #tpu.memory_space<vmem>>, vector<16xf32>,
      %reduce_sum3A = arith.constant true
      %reduce_sum3A_58 = vector.broadcast %reduce_sum3A : i1 to vector<16xi1>
      %reduce_sum3A_59 = tpu.scan <sum>, %get3A_57 masked %reduce_sum3A_58 : vector<16xf32>, vector<16xi1> -> vector<16xf32>
      %reduce_sum3A_60 = vector.extract %reduce_sum3A_59[15] : f32 from vector<16xf32>
      %eq3A_61 = arith.constant 0 : i32
      %eq3A_62 = vector.broadcast %eq3A_61 : i32 to vector<16xi32>
      %eq3A_63 = arith.cmpi eq, %iota3A, %eq3A_62 : vector<16xi32>
      %broadcast_in_dim3A_64 = vector.broadcast %reduce_sum3A_60 : f32 to vector<16xf32>
      %select_n3A_65 = arith.select %eq3A_63, %broadcast_in_dim3A_64, %broadcast_in_dim3A_27 : vector<16xi1>, vector<16xf32>
      %get3A_66 = arith.constant 16 : index
      %get3A_67 = tpu.vector_load %arg9[%get3A_66] {strides = array<i32>} : memref<512xf32, #tpu.memory_space<vmem>>, vector<16xf32>,
      %reduce_sum3A_68 = arith.constant true
      %reduce_sum3A_69 = vector.broadcast %reduce_sum3A_68 : i1 to vector<16xi1>
      %reduce_sum3A_70 = tpu.scan <sum>, %get3A_67 masked %reduce_sum3A_69 : vector<16xf32>, vector<16xi1> -> vector<16xf32>
      %reduce_sum3A_71 = vector.extract %reduce_sum3A_70[15] : f32 from vector<16xf32>
      %eq3A_72 = arith.constant 1 : i32
      %eq3A_73 = vector.broadcast %eq3A_72 : i32 to vector<16xi32>
      %eq3A_74 = arith.cmpi eq, %iota3A, %eq3A_73 : vector<16xi32>
      %broadcast_in_dim3A_75 = vector.broadcast %reduce_sum3A_71 : f32 to vector<16xf32>
      %select_n3A_76 = arith.select %eq3A_74, %broadcast_in_dim3A_75, %select_n3A_65 : vector<16xi1>, vector<16xf32>
      %get3A_77 = arith.constant 32 : index
      %get3A_78 = tpu.vector_load %arg9[%get3A_77] {strides = array<i32>} : memref<512xf32, #tpu.memory_space<vmem>>, vector<16xf32>,
      %reduce_sum3A_79 = arith.constant true
      %reduce_sum3A_80 = vector.broadcast %reduce_sum3A_79 : i1 to vector<16xi1>
      %reduce_sum3A_81 = tpu.scan <sum>, %get3A_78 masked %reduce_sum3A_80 : vector<16xf32>, vector<16xi1> -> vector<16xf32>
      %reduce_sum3A_82 = vector.extract %reduce_sum3A_81[15] : f32 from vector<16xf32>
      %eq3A_83 = arith.constant 2 : i32
      %eq3A_84 = vector.broadcast %eq3A_83 : i32 to vector<16xi32>
      %eq3A_85 = arith.cmpi eq, %iota3A, %eq3A_84 : vector<16xi32>
      %broadcast_in_dim3A_86 = vector.broadcast %reduce_sum3A_82 : f32 to vector<16xf32>
      %select_n3A_87 = arith.select %eq3A_85, %broadcast_in_dim3A_86, %select_n3A_76 : vector<16xi1>, vector<16xf32>
      %get3A_88 = arith.constant 48 : index
      %get3A_89 = tpu.vector_load %arg9[%get3A_88] {strides = array<i32>} : memref<512xf32, #tpu.memory_space<vmem>>, vector<16xf32>,
      %reduce_sum3A_90 = arith.constant true
      %reduce_sum3A_91 = vector.broadcast %reduce_sum3A_90 : i1 to vector<16xi1>
      %reduce_sum3A_92 = tpu.scan <sum>, %get3A_89 masked %reduce_sum3A_91 : vector<16xf32>, vector<16xi1> -> vector<16xf32>
      %reduce_sum3A_93 = vector.extract %reduce_sum3A_92[15] : f32 from vector<16xf32>
      %eq3A_94 = arith.constant 3 : i32
      %eq3A_95 = vector.broadcast %eq3A_94 : i32 to vector<16xi32>
      %eq3A_96 = arith.cmpi eq, %iota3A, %eq3A_95 : vector<16xi32>
      %broadcast_in_dim3A_97 = vector.broadcast %reduce_sum3A_93 : f32 to vector<16xf32>
      %select_n3A_98 = arith.select %eq3A_96, %broadcast_in_dim3A_97, %select_n3A_87 : vector<16xi1>, vector<16xf32>
      %get3A_99 = arith.constant 64 : index
      %get3A_100 = tpu.vector_load %arg9[%get3A_99] {strides = array<i32>} : memref<512xf32, #tpu.memory_space<vmem>>, vector<16xf32>,
      %reduce_sum3A_101 = arith.constant true
      %reduce_sum3A_102 = vector.broadcast %reduce_sum3A_101 : i1 to vector<16xi1>
      %reduce_sum3A_103 = tpu.scan <sum>, %get3A_100 masked %reduce_sum3A_102 : vector<16xf32>, vector<16xi1> -> vector<16xf32>
      %reduce_sum3A_104 = vector.extract %reduce_sum3A_103[15] : f32 from vector<16xf32>
      %eq3A_105 = arith.constant 4 : i32
      %eq3A_106 = vector.broadcast %eq3A_105 : i32 to vector<16xi32>
      %eq3A_107 = arith.cmpi eq, %iota3A, %eq3A_106 : vector<16xi32>
      %broadcast_in_dim3A_108 = vector.broadcast %reduce_sum3A_104 : f32 to vector<16xf32>
      %select_n3A_109 = arith.select %eq3A_107, %broadcast_in_dim3A_108, %select_n3A_98 : vector<16xi1>, vector<16xf32>
      %get3A_110 = arith.constant 80 : index
      %get3A_111 = tpu.vector_load %arg9[%get3A_110] {strides = array<i32>} : memref<512xf32, #tpu.memory_space<vmem>>, vector<16xf32>,
      %reduce_sum3A_112 = arith.constant true
      %reduce_sum3A_113 = vector.broadcast %reduce_sum3A_112 : i1 to vector<16xi1>
      %reduce_sum3A_114 = tpu.scan <sum>, %get3A_111 masked %reduce_sum3A_113 : vector<16xf32>, vector<16xi1> -> vector<16xf32>
      %reduce_sum3A_115 = vector.extract %reduce_sum3A_114[15] : f32 from vector<16xf32>
      %eq3A_116 = arith.constant 5 : i32
      %eq3A_117 = vector.broadcast %eq3A_116 : i32 to vector<16xi32>
      %eq3A_118 = arith.cmpi eq, %iota3A, %eq3A_117 : vector<16xi32>
      %broadcast_in_dim3A_119 = vector.broadcast %reduce_sum3A_115 : f32 to vector<16xf32>
      %select_n3A_120 = arith.select %eq3A_118, %broadcast_in_dim3A_119, %select_n3A_109 : vector<16xi1>, vector<16xf32>
      %get3A_121 = arith.constant 96 : index
      %get3A_122 = tpu.vector_load %arg9[%get3A_121] {strides = array<i32>} : memref<512xf32, #tpu.memory_space<vmem>>, vector<16xf32>,
      %reduce_sum3A_123 = arith.constant true
      %reduce_sum3A_124 = vector.broadcast %reduce_sum3A_123 : i1 to vector<16xi1>
      %reduce_sum3A_125 = tpu.scan <sum>, %get3A_122 masked %reduce_sum3A_124 : vector<16xf32>, vector<16xi1> -> vector<16xf32>
      %reduce_sum3A_126 = vector.extract %reduce_sum3A_125[15] : f32 from vector<16xf32>
      %eq3A_127 = arith.constant 6 : i32
      %eq3A_128 = vector.broadcast %eq3A_127 : i32 to vector<16xi32>
      %eq3A_129 = arith.cmpi eq, %iota3A, %eq3A_128 : vector<16xi32>
      %broadcast_in_dim3A_130 = vector.broadcast %reduce_sum3A_126 : f32 to vector<16xf32>
      %select_n3A_131 = arith.select %eq3A_129, %broadcast_in_dim3A_130, %select_n3A_120 : vector<16xi1>, vector<16xf32>
      %get3A_132 = arith.constant 112 : index
      %get3A_133 = tpu.vector_load %arg9[%get3A_132] {strides = array<i32>} : memref<512xf32, #tpu.memory_space<vmem>>, vector<16xf32>,
      %reduce_sum3A_134 = arith.constant true
      %reduce_sum3A_135 = vector.broadcast %reduce_sum3A_134 : i1 to vector<16xi1>
      %reduce_sum3A_136 = tpu.scan <sum>, %get3A_133 masked %reduce_sum3A_135 : vector<16xf32>, vector<16xi1> -> vector<16xf32>
      %reduce_sum3A_137 = vector.extract %reduce_sum3A_136[15] : f32 from vector<16xf32>
      %eq3A_138 = arith.constant 7 : i32
      %eq3A_139 = vector.broadcast %eq3A_138 : i32 to vector<16xi32>
      %eq3A_140 = arith.cmpi eq, %iota3A, %eq3A_139 : vector<16xi32>
      %broadcast_in_dim3A_141 = vector.broadcast %reduce_sum3A_137 : f32 to vector<16xf32>
      %select_n3A_142 = arith.select %eq3A_140, %broadcast_in_dim3A_141, %select_n3A_131 : vector<16xi1>, vector<16xf32>
      %get3A_143 = arith.constant 128 : index
      %get3A_144 = tpu.vector_load %arg9[%get3A_143] {strides = array<i32>} : memref<512xf32, #tpu.memory_space<vmem>>, vector<16xf32>,
      %reduce_sum3A_145 = arith.constant true
      %reduce_sum3A_146 = vector.broadcast %reduce_sum3A_145 : i1 to vector<16xi1>
      %reduce_sum3A_147 = tpu.scan <sum>, %get3A_144 masked %reduce_sum3A_146 : vector<16xf32>, vector<16xi1> -> vector<16xf32>
      %reduce_sum3A_148 = vector.extract %reduce_sum3A_147[15] : f32 from vector<16xf32>
      %eq3A_149 = arith.constant 8 : i32
      %eq3A_150 = vector.broadcast %eq3A_149 : i32 to vector<16xi32>
      %eq3A_151 = arith.cmpi eq, %iota3A, %eq3A_150 : vector<16xi32>
      %broadcast_in_dim3A_152 = vector.broadcast %reduce_sum3A_148 : f32 to vector<16xf32>
      %select_n3A_153 = arith.select %eq3A_151, %broadcast_in_dim3A_152, %select_n3A_142 : vector<16xi1>, vector<16xf32>
      %get3A_154 = arith.constant 144 : index
      %get3A_155 = tpu.vector_load %arg9[%get3A_154] {strides = array<i32>} : memref<512xf32, #tpu.memory_space<vmem>>, vector<16xf32>,
      %reduce_sum3A_156 = arith.constant true
      %reduce_sum3A_157 = vector.broadcast %reduce_sum3A_156 : i1 to vector<16xi1>
      %reduce_sum3A_158 = tpu.scan <sum>, %get3A_155 masked %reduce_sum3A_157 : vector<16xf32>, vector<16xi1> -> vector<16xf32>
      %reduce_sum3A_159 = vector.extract %reduce_sum3A_158[15] : f32 from vector<16xf32>
      %eq3A_160 = arith.constant 9 : i32
      %eq3A_161 = vector.broadcast %eq3A_160 : i32 to vector<16xi32>
      %eq3A_162 = arith.cmpi eq, %iota3A, %eq3A_161 : vector<16xi32>
      %broadcast_in_dim3A_163 = vector.broadcast %reduce_sum3A_159 : f32 to vector<16xf32>
      %select_n3A_164 = arith.select %eq3A_162, %broadcast_in_dim3A_163, %select_n3A_153 : vector<16xi1>, vector<16xf32>
      %get3A_165 = arith.constant 160 : index
      %get3A_166 = tpu.vector_load %arg9[%get3A_165] {strides = array<i32>} : memref<512xf32, #tpu.memory_space<vmem>>, vector<16xf32>,
      %reduce_sum3A_167 = arith.constant true
      %reduce_sum3A_168 = vector.broadcast %reduce_sum3A_167 : i1 to vector<16xi1>
      %reduce_sum3A_169 = tpu.scan <sum>, %get3A_166 masked %reduce_sum3A_168 : vector<16xf32>, vector<16xi1> -> vector<16xf32>
      %reduce_sum3A_170 = vector.extract %reduce_sum3A_169[15] : f32 from vector<16xf32>
      %eq3A_171 = arith.constant 10 : i32
      %eq3A_172 = vector.broadcast %eq3A_171 : i32 to vector<16xi32>
      %eq3A_173 = arith.cmpi eq, %iota3A, %eq3A_172 : vector<16xi32>
      %broadcast_in_dim3A_174 = vector.broadcast %reduce_sum3A_170 : f32 to vector<16xf32>
      %select_n3A_175 = arith.select %eq3A_173, %broadcast_in_dim3A_174, %select_n3A_164 : vector<16xi1>, vector<16xf32>
      %get3A_176 = arith.constant 176 : index
      %get3A_177 = tpu.vector_load %arg9[%get3A_176] {strides = array<i32>} : memref<512xf32, #tpu.memory_space<vmem>>, vector<16xf32>,
      %reduce_sum3A_178 = arith.constant true
      %reduce_sum3A_179 = vector.broadcast %reduce_sum3A_178 : i1 to vector<16xi1>
      %reduce_sum3A_180 = tpu.scan <sum>, %get3A_177 masked %reduce_sum3A_179 : vector<16xf32>, vector<16xi1> -> vector<16xf32>
      %reduce_sum3A_181 = vector.extract %reduce_sum3A_180[15] : f32 from vector<16xf32>
      %eq3A_182 = arith.constant 11 : i32
      %eq3A_183 = vector.broadcast %eq3A_182 : i32 to vector<16xi32>
      %eq3A_184 = arith.cmpi eq, %iota3A, %eq3A_183 : vector<16xi32>
      %broadcast_in_dim3A_185 = vector.broadcast %reduce_sum3A_181 : f32 to vector<16xf32>
      %select_n3A_186 = arith.select %eq3A_184, %broadcast_in_dim3A_185, %select_n3A_175 : vector<16xi1>, vector<16xf32>
      %get3A_187 = arith.constant 192 : index
      %get3A_188 = tpu.vector_load %arg9[%get3A_187] {strides = array<i32>} : memref<512xf32, #tpu.memory_space<vmem>>, vector<16xf32>,
      %reduce_sum3A_189 = arith.constant true
      %reduce_sum3A_190 = vector.broadcast %reduce_sum3A_189 : i1 to vector<16xi1>
      %reduce_sum3A_191 = tpu.scan <sum>, %get3A_188 masked %reduce_sum3A_190 : vector<16xf32>, vector<16xi1> -> vector<16xf32>
      %reduce_sum3A_192 = vector.extract %reduce_sum3A_191[15] : f32 from vector<16xf32>
      %eq3A_193 = arith.constant 12 : i32
      %eq3A_194 = vector.broadcast %eq3A_193 : i32 to vector<16xi32>
      %eq3A_195 = arith.cmpi eq, %iota3A, %eq3A_194 : vector<16xi32>
      %broadcast_in_dim3A_196 = vector.broadcast %reduce_sum3A_192 : f32 to vector<16xf32>
      %select_n3A_197 = arith.select %eq3A_195, %broadcast_in_dim3A_196, %select_n3A_186 : vector<16xi1>, vector<16xf32>
      %get3A_198 = arith.constant 208 : index
      %get3A_199 = tpu.vector_load %arg9[%get3A_198] {strides = array<i32>} : memref<512xf32, #tpu.memory_space<vmem>>, vector<16xf32>,
      %reduce_sum3A_200 = arith.constant true
      %reduce_sum3A_201 = vector.broadcast %reduce_sum3A_200 : i1 to vector<16xi1>
      %reduce_sum3A_202 = tpu.scan <sum>, %get3A_199 masked %reduce_sum3A_201 : vector<16xf32>, vector<16xi1> -> vector<16xf32>
      %reduce_sum3A_203 = vector.extract %reduce_sum3A_202[15] : f32 from vector<16xf32>
      %eq3A_204 = arith.constant 13 : i32
      %eq3A_205 = vector.broadcast %eq3A_204 : i32 to vector<16xi32>
      %eq3A_206 = arith.cmpi eq, %iota3A, %eq3A_205 : vector<16xi32>
      %broadcast_in_dim3A_207 = vector.broadcast %reduce_sum3A_203 : f32 to vector<16xf32>
      %select_n3A_208 = arith.select %eq3A_206, %broadcast_in_dim3A_207, %select_n3A_197 : vector<16xi1>, vector<16xf32>
      %get3A_209 = arith.constant 224 : index
      %get3A_210 = tpu.vector_load %arg9[%get3A_209] {strides = array<i32>} : memref<512xf32, #tpu.memory_space<vmem>>, vector<16xf32>,
      %reduce_sum3A_211 = arith.constant true
      %reduce_sum3A_212 = vector.broadcast %reduce_sum3A_211 : i1 to vector<16xi1>
      %reduce_sum3A_213 = tpu.scan <sum>, %get3A_210 masked %reduce_sum3A_212 : vector<16xf32>, vector<16xi1> -> vector<16xf32>
      %reduce_sum3A_214 = vector.extract %reduce_sum3A_213[15] : f32 from vector<16xf32>
      %eq3A_215 = arith.constant 14 : i32
      %eq3A_216 = vector.broadcast %eq3A_215 : i32 to vector<16xi32>
      %eq3A_217 = arith.cmpi eq, %iota3A, %eq3A_216 : vector<16xi32>
      %broadcast_in_dim3A_218 = vector.broadcast %reduce_sum3A_214 : f32 to vector<16xf32>
      %select_n3A_219 = arith.select %eq3A_217, %broadcast_in_dim3A_218, %select_n3A_208 : vector<16xi1>, vector<16xf32>
      %get3A_220 = arith.constant 240 : index
      %get3A_221 = tpu.vector_load %arg9[%get3A_220] {strides = array<i32>} : memref<512xf32, #tpu.memory_space<vmem>>, vector<16xf32>,
      %reduce_sum3A_222 = arith.constant true
      %reduce_sum3A_223 = vector.broadcast %reduce_sum3A_222 : i1 to vector<16xi1>
      %reduce_sum3A_224 = tpu.scan <sum>, %get3A_221 masked %reduce_sum3A_223 : vector<16xf32>, vector<16xi1> -> vector<16xf32>
      %reduce_sum3A_225 = vector.extract %reduce_sum3A_224[15] : f32 from vector<16xf32>
      %eq3A_226 = arith.constant 15 : i32
      %eq3A_227 = vector.broadcast %eq3A_226 : i32 to vector<16xi32>
      %eq3A_228 = arith.cmpi eq, %iota3A, %eq3A_227 : vector<16xi32>
      %broadcast_in_dim3A_229 = vector.broadcast %reduce_sum3A_225 : f32 to vector<16xf32>
      %select_n3A_230 = arith.select %eq3A_228, %broadcast_in_dim3A_229, %select_n3A_219 : vector<16xi1>, vector<16xf32>
      %mul3A_231 = arith.constant 32 : i32
      %mul3A_232 = arith.muli %scan3A_34, %mul3A_231 : i32
      %add3A_233 = arith.constant 0 : i32
      %add3A_234 = arith.addi %mul3A_232, %add3A_233 : i32
      %multiple_of3A_235 = tpu.assume_multiple %add3A_234, 16 : i32
      %swap3A = arith.index_cast %multiple_of3A_235 : i32 to index
      %swap3A_236 = tpu.vector_load %arg8[%swap3A] {strides = array<i32>} : memref<512xf32, #tpu.memory_space<vmem>>, vector<16xf32>,
      tpu.vector_store %arg8[%swap3A], %select_n3A_230 {strides = array<i32>} : memref<512xf32, #tpu.memory_space<vmem>>, vector<16xf32>,
      %get3A_237 = arith.constant 256 : index
      %get3A_238 = tpu.vector_load %arg9[%get3A_237] {strides = array<i32>} : memref<512xf32, #tpu.memory_space<vmem>>, vector<16xf32>,
      %reduce_sum3A_239 = arith.constant true
      %reduce_sum3A_240 = vector.broadcast %reduce_sum3A_239 : i1 to vector<16xi1>
      %reduce_sum3A_241 = tpu.scan <sum>, %get3A_238 masked %reduce_sum3A_240 : vector<16xf32>, vector<16xi1> -> vector<16xf32>
      %reduce_sum3A_242 = vector.extract %reduce_sum3A_241[15] : f32 from vector<16xf32>
      %eq3A_243 = arith.constant 0 : i32
      %eq3A_244 = vector.broadcast %eq3A_243 : i32 to vector<16xi32>
      %eq3A_245 = arith.cmpi eq, %iota3A, %eq3A_244 : vector<16xi32>
      %broadcast_in_dim3A_246 = vector.broadcast %reduce_sum3A_242 : f32 to vector<16xf32>
      %select_n3A_247 = arith.select %eq3A_245, %broadcast_in_dim3A_246, %broadcast_in_dim3A_27 : vector<16xi1>, vector<16xf32>
      %get3A_248 = arith.constant 272 : index
      %get3A_249 = tpu.vector_load %arg9[%get3A_248] {strides = array<i32>} : memref<512xf32, #tpu.memory_space<vmem>>, vector<16xf32>,
      %reduce_sum3A_250 = arith.constant true
      %reduce_sum3A_251 = vector.broadcast %reduce_sum3A_250 : i1 to vector<16xi1>
      %reduce_sum3A_252 = tpu.scan <sum>, %get3A_249 masked %reduce_sum3A_251 : vector<16xf32>, vector<16xi1> -> vector<16xf32>
      %reduce_sum3A_253 = vector.extract %reduce_sum3A_252[15] : f32 from vector<16xf32>
      %eq3A_254 = arith.constant 1 : i32
      %eq3A_255 = vector.broadcast %eq3A_254 : i32 to vector<16xi32>
      %eq3A_256 = arith.cmpi eq, %iota3A, %eq3A_255 : vector<16xi32>
      %broadcast_in_dim3A_257 = vector.broadcast %reduce_sum3A_253 : f32 to vector<16xf32>
      %select_n3A_258 = arith.select %eq3A_256, %broadcast_in_dim3A_257, %select_n3A_247 : vector<16xi1>, vector<16xf32>
      %get3A_259 = arith.constant 288 : index
      %get3A_260 = tpu.vector_load %arg9[%get3A_259] {strides = array<i32>} : memref<512xf32, #tpu.memory_space<vmem>>, vector<16xf32>,
      %reduce_sum3A_261 = arith.constant true
      %reduce_sum3A_262 = vector.broadcast %reduce_sum3A_261 : i1 to vector<16xi1>
      %reduce_sum3A_263 = tpu.scan <sum>, %get3A_260 masked %reduce_sum3A_262 : vector<16xf32>, vector<16xi1> -> vector<16xf32>
      %reduce_sum3A_264 = vector.extract %reduce_sum3A_263[15] : f32 from vector<16xf32>
      %eq3A_265 = arith.constant 2 : i32
      %eq3A_266 = vector.broadcast %eq3A_265 : i32 to vector<16xi32>
      %eq3A_267 = arith.cmpi eq, %iota3A, %eq3A_266 : vector<16xi32>
      %broadcast_in_dim3A_268 = vector.broadcast %reduce_sum3A_264 : f32 to vector<16xf32>
      %select_n3A_269 = arith.select %eq3A_267, %broadcast_in_dim3A_268, %select_n3A_258 : vector<16xi1>, vector<16xf32>
      %get3A_270 = arith.constant 304 : index
      %get3A_271 = tpu.vector_load %arg9[%get3A_270] {strides = array<i32>} : memref<512xf32, #tpu.memory_space<vmem>>, vector<16xf32>,
      %reduce_sum3A_272 = arith.constant true
      %reduce_sum3A_273 = vector.broadcast %reduce_sum3A_272 : i1 to vector<16xi1>
      %reduce_sum3A_274 = tpu.scan <sum>, %get3A_271 masked %reduce_sum3A_273 : vector<16xf32>, vector<16xi1> -> vector<16xf32>
      %reduce_sum3A_275 = vector.extract %reduce_sum3A_274[15] : f32 from vector<16xf32>
      %eq3A_276 = arith.constant 3 : i32
      %eq3A_277 = vector.broadcast %eq3A_276 : i32 to vector<16xi32>
      %eq3A_278 = arith.cmpi eq, %iota3A, %eq3A_277 : vector<16xi32>
      %broadcast_in_dim3A_279 = vector.broadcast %reduce_sum3A_275 : f32 to vector<16xf32>
      %select_n3A_280 = arith.select %eq3A_278, %broadcast_in_dim3A_279, %select_n3A_269 : vector<16xi1>, vector<16xf32>
      %get3A_281 = arith.constant 320 : index
      %get3A_282 = tpu.vector_load %arg9[%get3A_281] {strides = array<i32>} : memref<512xf32, #tpu.memory_space<vmem>>, vector<16xf32>,
      %reduce_sum3A_283 = arith.constant true
      %reduce_sum3A_284 = vector.broadcast %reduce_sum3A_283 : i1 to vector<16xi1>
      %reduce_sum3A_285 = tpu.scan <sum>, %get3A_282 masked %reduce_sum3A_284 : vector<16xf32>, vector<16xi1> -> vector<16xf32>
      %reduce_sum3A_286 = vector.extract %reduce_sum3A_285[15] : f32 from vector<16xf32>
      %eq3A_287 = arith.constant 4 : i32
      %eq3A_288 = vector.broadcast %eq3A_287 : i32 to vector<16xi32>
      %eq3A_289 = arith.cmpi eq, %iota3A, %eq3A_288 : vector<16xi32>
      %broadcast_in_dim3A_290 = vector.broadcast %reduce_sum3A_286 : f32 to vector<16xf32>
      %select_n3A_291 = arith.select %eq3A_289, %broadcast_in_dim3A_290, %select_n3A_280 : vector<16xi1>, vector<16xf32>
      %get3A_292 = arith.constant 336 : index
      %get3A_293 = tpu.vector_load %arg9[%get3A_292] {strides = array<i32>} : memref<512xf32, #tpu.memory_space<vmem>>, vector<16xf32>,
      %reduce_sum3A_294 = arith.constant true
      %reduce_sum3A_295 = vector.broadcast %reduce_sum3A_294 : i1 to vector<16xi1>
      %reduce_sum3A_296 = tpu.scan <sum>, %get3A_293 masked %reduce_sum3A_295 : vector<16xf32>, vector<16xi1> -> vector<16xf32>
      %reduce_sum3A_297 = vector.extract %reduce_sum3A_296[15] : f32 from vector<16xf32>
      %eq3A_298 = arith.constant 5 : i32
      %eq3A_299 = vector.broadcast %eq3A_298 : i32 to vector<16xi32>
      %eq3A_300 = arith.cmpi eq, %iota3A, %eq3A_299 : vector<16xi32>
      %broadcast_in_dim3A_301 = vector.broadcast %reduce_sum3A_297 : f32 to vector<16xf32>
      %select_n3A_302 = arith.select %eq3A_300, %broadcast_in_dim3A_301, %select_n3A_291 : vector<16xi1>, vector<16xf32>
      %get3A_303 = arith.constant 352 : index
      %get3A_304 = tpu.vector_load %arg9[%get3A_303] {strides = array<i32>} : memref<512xf32, #tpu.memory_space<vmem>>, vector<16xf32>,
      %reduce_sum3A_305 = arith.constant true
      %reduce_sum3A_306 = vector.broadcast %reduce_sum3A_305 : i1 to vector<16xi1>
      %reduce_sum3A_307 = tpu.scan <sum>, %get3A_304 masked %reduce_sum3A_306 : vector<16xf32>, vector<16xi1> -> vector<16xf32>
      %reduce_sum3A_308 = vector.extract %reduce_sum3A_307[15] : f32 from vector<16xf32>
      %eq3A_309 = arith.constant 6 : i32
      %eq3A_310 = vector.broadcast %eq3A_309 : i32 to vector<16xi32>
      %eq3A_311 = arith.cmpi eq, %iota3A, %eq3A_310 : vector<16xi32>
      %broadcast_in_dim3A_312 = vector.broadcast %reduce_sum3A_308 : f32 to vector<16xf32>
      %select_n3A_313 = arith.select %eq3A_311, %broadcast_in_dim3A_312, %select_n3A_302 : vector<16xi1>, vector<16xf32>
      %get3A_314 = arith.constant 368 : index
      %get3A_315 = tpu.vector_load %arg9[%get3A_314] {strides = array<i32>} : memref<512xf32, #tpu.memory_space<vmem>>, vector<16xf32>,
      %reduce_sum3A_316 = arith.constant true
      %reduce_sum3A_317 = vector.broadcast %reduce_sum3A_316 : i1 to vector<16xi1>
      %reduce_sum3A_318 = tpu.scan <sum>, %get3A_315 masked %reduce_sum3A_317 : vector<16xf32>, vector<16xi1> -> vector<16xf32>
      %reduce_sum3A_319 = vector.extract %reduce_sum3A_318[15] : f32 from vector<16xf32>
      %eq3A_320 = arith.constant 7 : i32
      %eq3A_321 = vector.broadcast %eq3A_320 : i32 to vector<16xi32>
      %eq3A_322 = arith.cmpi eq, %iota3A, %eq3A_321 : vector<16xi32>
      %broadcast_in_dim3A_323 = vector.broadcast %reduce_sum3A_319 : f32 to vector<16xf32>
      %select_n3A_324 = arith.select %eq3A_322, %broadcast_in_dim3A_323, %select_n3A_313 : vector<16xi1>, vector<16xf32>
      %get3A_325 = arith.constant 384 : index
      %get3A_326 = tpu.vector_load %arg9[%get3A_325] {strides = array<i32>} : memref<512xf32, #tpu.memory_space<vmem>>, vector<16xf32>,
      %reduce_sum3A_327 = arith.constant true
      %reduce_sum3A_328 = vector.broadcast %reduce_sum3A_327 : i1 to vector<16xi1>
      %reduce_sum3A_329 = tpu.scan <sum>, %get3A_326 masked %reduce_sum3A_328 : vector<16xf32>, vector<16xi1> -> vector<16xf32>
      %reduce_sum3A_330 = vector.extract %reduce_sum3A_329[15] : f32 from vector<16xf32>
      %eq3A_331 = arith.constant 8 : i32
      %eq3A_332 = vector.broadcast %eq3A_331 : i32 to vector<16xi32>
      %eq3A_333 = arith.cmpi eq, %iota3A, %eq3A_332 : vector<16xi32>
      %broadcast_in_dim3A_334 = vector.broadcast %reduce_sum3A_330 : f32 to vector<16xf32>
      %select_n3A_335 = arith.select %eq3A_333, %broadcast_in_dim3A_334, %select_n3A_324 : vector<16xi1>, vector<16xf32>
      %get3A_336 = arith.constant 400 : index
      %get3A_337 = tpu.vector_load %arg9[%get3A_336] {strides = array<i32>} : memref<512xf32, #tpu.memory_space<vmem>>, vector<16xf32>,
      %reduce_sum3A_338 = arith.constant true
      %reduce_sum3A_339 = vector.broadcast %reduce_sum3A_338 : i1 to vector<16xi1>
      %reduce_sum3A_340 = tpu.scan <sum>, %get3A_337 masked %reduce_sum3A_339 : vector<16xf32>, vector<16xi1> -> vector<16xf32>
      %reduce_sum3A_341 = vector.extract %reduce_sum3A_340[15] : f32 from vector<16xf32>
      %eq3A_342 = arith.constant 9 : i32
      %eq3A_343 = vector.broadcast %eq3A_342 : i32 to vector<16xi32>
      %eq3A_344 = arith.cmpi eq, %iota3A, %eq3A_343 : vector<16xi32>
      %broadcast_in_dim3A_345 = vector.broadcast %reduce_sum3A_341 : f32 to vector<16xf32>
      %select_n3A_346 = arith.select %eq3A_344, %broadcast_in_dim3A_345, %select_n3A_335 : vector<16xi1>, vector<16xf32>
      %get3A_347 = arith.constant 416 : index
      %get3A_348 = tpu.vector_load %arg9[%get3A_347] {strides = array<i32>} : memref<512xf32, #tpu.memory_space<vmem>>, vector<16xf32>,
      %reduce_sum3A_349 = arith.constant true
      %reduce_sum3A_350 = vector.broadcast %reduce_sum3A_349 : i1 to vector<16xi1>
      %reduce_sum3A_351 = tpu.scan <sum>, %get3A_348 masked %reduce_sum3A_350 : vector<16xf32>, vector<16xi1> -> vector<16xf32>
      %reduce_sum3A_352 = vector.extract %reduce_sum3A_351[15] : f32 from vector<16xf32>
      %eq3A_353 = arith.constant 10 : i32
      %eq3A_354 = vector.broadcast %eq3A_353 : i32 to vector<16xi32>
      %eq3A_355 = arith.cmpi eq, %iota3A, %eq3A_354 : vector<16xi32>
      %broadcast_in_dim3A_356 = vector.broadcast %reduce_sum3A_352 : f32 to vector<16xf32>
      %select_n3A_357 = arith.select %eq3A_355, %broadcast_in_dim3A_356, %select_n3A_346 : vector<16xi1>, vector<16xf32>
      %get3A_358 = arith.constant 432 : index
      %get3A_359 = tpu.vector_load %arg9[%get3A_358] {strides = array<i32>} : memref<512xf32, #tpu.memory_space<vmem>>, vector<16xf32>,
      %reduce_sum3A_360 = arith.constant true
      %reduce_sum3A_361 = vector.broadcast %reduce_sum3A_360 : i1 to vector<16xi1>
      %reduce_sum3A_362 = tpu.scan <sum>, %get3A_359 masked %reduce_sum3A_361 : vector<16xf32>, vector<16xi1> -> vector<16xf32>
      %reduce_sum3A_363 = vector.extract %reduce_sum3A_362[15] : f32 from vector<16xf32>
      %eq3A_364 = arith.constant 11 : i32
      %eq3A_365 = vector.broadcast %eq3A_364 : i32 to vector<16xi32>
      %eq3A_366 = arith.cmpi eq, %iota3A, %eq3A_365 : vector<16xi32>
      %broadcast_in_dim3A_367 = vector.broadcast %reduce_sum3A_363 : f32 to vector<16xf32>
      %select_n3A_368 = arith.select %eq3A_366, %broadcast_in_dim3A_367, %select_n3A_357 : vector<16xi1>, vector<16xf32>
      %get3A_369 = arith.constant 448 : index
      %get3A_370 = tpu.vector_load %arg9[%get3A_369] {strides = array<i32>} : memref<512xf32, #tpu.memory_space<vmem>>, vector<16xf32>,
      %reduce_sum3A_371 = arith.constant true
      %reduce_sum3A_372 = vector.broadcast %reduce_sum3A_371 : i1 to vector<16xi1>
      %reduce_sum3A_373 = tpu.scan <sum>, %get3A_370 masked %reduce_sum3A_372 : vector<16xf32>, vector<16xi1> -> vector<16xf32>
      %reduce_sum3A_374 = vector.extract %reduce_sum3A_373[15] : f32 from vector<16xf32>
      %eq3A_375 = arith.constant 12 : i32
      %eq3A_376 = vector.broadcast %eq3A_375 : i32 to vector<16xi32>
      %eq3A_377 = arith.cmpi eq, %iota3A, %eq3A_376 : vector<16xi32>
      %broadcast_in_dim3A_378 = vector.broadcast %reduce_sum3A_374 : f32 to vector<16xf32>
      %select_n3A_379 = arith.select %eq3A_377, %broadcast_in_dim3A_378, %select_n3A_368 : vector<16xi1>, vector<16xf32>
      %get3A_380 = arith.constant 464 : index
      %get3A_381 = tpu.vector_load %arg9[%get3A_380] {strides = array<i32>} : memref<512xf32, #tpu.memory_space<vmem>>, vector<16xf32>,
      %reduce_sum3A_382 = arith.constant true
      %reduce_sum3A_383 = vector.broadcast %reduce_sum3A_382 : i1 to vector<16xi1>
      %reduce_sum3A_384 = tpu.scan <sum>, %get3A_381 masked %reduce_sum3A_383 : vector<16xf32>, vector<16xi1> -> vector<16xf32>
      %reduce_sum3A_385 = vector.extract %reduce_sum3A_384[15] : f32 from vector<16xf32>
      %eq3A_386 = arith.constant 13 : i32
      %eq3A_387 = vector.broadcast %eq3A_386 : i32 to vector<16xi32>
      %eq3A_388 = arith.cmpi eq, %iota3A, %eq3A_387 : vector<16xi32>
      %broadcast_in_dim3A_389 = vector.broadcast %reduce_sum3A_385 : f32 to vector<16xf32>
      %select_n3A_390 = arith.select %eq3A_388, %broadcast_in_dim3A_389, %select_n3A_379 : vector<16xi1>, vector<16xf32>
      %get3A_391 = arith.constant 480 : index
      %get3A_392 = tpu.vector_load %arg9[%get3A_391] {strides = array<i32>} : memref<512xf32, #tpu.memory_space<vmem>>, vector<16xf32>,
      %reduce_sum3A_393 = arith.constant true
      %reduce_sum3A_394 = vector.broadcast %reduce_sum3A_393 : i1 to vector<16xi1>
      %reduce_sum3A_395 = tpu.scan <sum>, %get3A_392 masked %reduce_sum3A_394 : vector<16xf32>, vector<16xi1> -> vector<16xf32>
      %reduce_sum3A_396 = vector.extract %reduce_sum3A_395[15] : f32 from vector<16xf32>
      %eq3A_397 = arith.constant 14 : i32
      %eq3A_398 = vector.broadcast %eq3A_397 : i32 to vector<16xi32>
      %eq3A_399 = arith.cmpi eq, %iota3A, %eq3A_398 : vector<16xi32>
      %broadcast_in_dim3A_400 = vector.broadcast %reduce_sum3A_396 : f32 to vector<16xf32>
      %select_n3A_401 = arith.select %eq3A_399, %broadcast_in_dim3A_400, %select_n3A_390 : vector<16xi1>, vector<16xf32>
      %get3A_402 = arith.constant 496 : index
      %get3A_403 = tpu.vector_load %arg9[%get3A_402] {strides = array<i32>} : memref<512xf32, #tpu.memory_space<vmem>>, vector<16xf32>,
      %reduce_sum3A_404 = arith.constant true
      %reduce_sum3A_405 = vector.broadcast %reduce_sum3A_404 : i1 to vector<16xi1>
      %reduce_sum3A_406 = tpu.scan <sum>, %get3A_403 masked %reduce_sum3A_405 : vector<16xf32>, vector<16xi1> -> vector<16xf32>
      %reduce_sum3A_407 = vector.extract %reduce_sum3A_406[15] : f32 from vector<16xf32>
      %eq3A_408 = arith.constant 15 : i32
      %eq3A_409 = vector.broadcast %eq3A_408 : i32 to vector<16xi32>
      %eq3A_410 = arith.cmpi eq, %iota3A, %eq3A_409 : vector<16xi32>
      %broadcast_in_dim3A_411 = vector.broadcast %reduce_sum3A_407 : f32 to vector<16xf32>
      %select_n3A_412 = arith.select %eq3A_410, %broadcast_in_dim3A_411, %select_n3A_401 : vector<16xi1>, vector<16xf32>
      %mul3A_413 = arith.constant 32 : i32
      %mul3A_414 = arith.muli %scan3A_34, %mul3A_413 : i32
      %add3A_415 = arith.constant 16 : i32
      %add3A_416 = arith.addi %mul3A_414, %add3A_415 : i32
      %multiple_of3A_417 = tpu.assume_multiple %add3A_416, 16 : i32
      %swap3A_418 = arith.index_cast %multiple_of3A_417 : i32 to index
      %swap3A_419 = tpu.vector_load %arg8[%swap3A_418] {strides = array<i32>} : memref<512xf32, #tpu.memory_space<vmem>>, vector<16xf32>,
      tpu.vector_store %arg8[%swap3A_418], %select_n3A_412 {strides = array<i32>} : memref<512xf32, #tpu.memory_space<vmem>>, vector<16xf32>,
      %lt3A_420 = arith.constant 14 : i32
      %lt3A_421 = arith.cmpi slt, %scan3A_34, %lt3A_420 : i32
      %convert_element_type3A = arith.extui %lt3A_421 : i1 to i32
      %cond3A = arith.constant 0 : i32
      %cond3A_422 = arith.cmpi ne, %convert_element_type3A, %cond3A : i32
      scf.if %cond3A_422 {
        %add3A_423 = arith.constant 2 : i32
        %add3A_424 = arith.addi %scan3A_34, %add3A_423 : i32
        %mul3A_425 = arith.constant 32 : i32
        %mul3A_426 = arith.muli %add3A_424, %mul3A_425 : i32
        %add3A_427 = arith.addi %mul3A_2, %mul3A_426 : i32
        %mul3A_428 = arith.constant 1024 : i32
        %mul3A_429 = arith.muli %add3A_427, %mul3A_428 : i32
        %jit3A_430 = arith.constant 2 : i32
        %eq3A_431 = arith.constant 0 : i32
        %eq3A_432 = arith.cmpi eq, %jit3A_430, %eq3A_431 : i32
        %jit3A_433 = arith.constant 1 : i32
        %select_n3A_434 = arith.select %eq3A_432, %jit3A_433, %jit3A_430 : i32
        %rem3A_435 = arith.remsi %add3A_424, %select_n3A_434 : i32
        %ne3A_436 = arith.constant 0 : i32
        %ne3A_437 = arith.cmpi ne, %rem3A_435, %ne3A_436 : i32
        %lt3A_438 = arith.constant 0 : i32
        %lt3A_439 = arith.cmpi slt, %rem3A_435, %lt3A_438 : i32
        %lt3A_440 = arith.constant 0 : i32
        %lt3A_441 = arith.cmpi slt, %select_n3A_434, %lt3A_440 : i32
        %ne3A_442 = arith.xori %lt3A_439, %lt3A_441 : i1
        %and3A_443 = arith.andi %ne3A_442, %ne3A_437 : i1
        %add3A_444 = arith.addi %rem3A_435, %select_n3A_434 : i32
        %select_n3A_445 = arith.select %and3A_443, %add3A_444, %rem3A_435 : i32
        %mul3A_446 = arith.constant 32768 : i32
        %mul3A_447 = arith.muli %select_n3A_445, %mul3A_446 : i32
        %multiple_of3A_448 = tpu.assume_multiple %mul3A_447, 16 : i32
        %dma_start3A_449 = tpu.memref_slice %arg5[%multiple_of3A_448] : memref<65536xf32, #tpu.memory_space<vmem>> -> memref<32768xf32, #tpu.memory_space<vmem>>
        %dma_start3A_450 = tpu.memref_slice %arg2[%mul3A_429] : memref<16777216xf32, #tpu.memory_space<hbm>> -> memref<32768xf32, #tpu.memory_space<hbm>>
        %dma_start3A_451 = tpu.memref_slice %arg5[%multiple_of3A_448] : memref<65536xf32, #tpu.memory_space<vmem>> -> memref<32768xf32, #tpu.memory_space<vmem>>
        %dma_start3A_452 = tpu.memref_slice %arg2[%mul3A_429] : memref<16777216xf32, #tpu.memory_space<hbm>> -> memref<32768xf32, #tpu.memory_space<hbm>>
        tpu.enqueue_dma source(%dma_start3A_452 : memref<32768xf32, #tpu.memory_space<hbm>>) target(%dma_start3A_451 : memref<32768xf32, #tpu.memory_space<vmem>>) target_semaphore(%arg10 : memref<!tpu.dma_semaphore, #tpu.memory_space<semaphore_mem>>)
      } else {
      }
    }
    %scan3A_33 = arith.constant 16 : i32
    "tpu.region"() ({
      %run_scoped3A = tpu.sem_alloc : memref<!tpu.dma_semaphore, #tpu.memory_space<semaphore_mem>>
      %dma_start3A_34 = tpu.memref_slice %arg4[%mul3A_2] : memref<16384xf32, #tpu.memory_space<hbm>> -> memref<512xf32, #tpu.memory_space<hbm>>
      %dma_start3A_35 = tpu.memref_slice %arg4[%mul3A_2] : memref<16384xf32, #tpu.memory_space<hbm>> -> memref<512xf32, #tpu.memory_space<hbm>>
      tpu.enqueue_dma source(%arg8 : memref<512xf32, #tpu.memory_space<vmem>>) target(%dma_start3A_35 : memref<512xf32, #tpu.memory_space<hbm>>) target_semaphore(%run_scoped3A : memref<!tpu.dma_semaphore, #tpu.memory_space<semaphore_mem>>)
      %dma_wait3A = tpu.memref_slice %arg4[%mul3A_2] : memref<16384xf32, #tpu.memory_space<hbm>> -> memref<512xf32, #tpu.memory_space<hbm>>
      %dma_wait3A_36 = tpu.memref_slice %arg4[%mul3A_2] : memref<16384xf32, #tpu.memory_space<hbm>> -> memref<512xf32, #tpu.memory_space<hbm>>
      tpu.wait_dma2 semaphore(%run_scoped3A : memref<!tpu.dma_semaphore, #tpu.memory_space<semaphore_mem>>) src(%arg8 : memref<512xf32, #tpu.memory_space<vmem>>) dst(%dma_wait3A_36 : memref<512xf32, #tpu.memory_space<hbm>>)
      tpu.yield
    }) : () -> ()
    return
  }
}

</mosaic_0001>

<sc_bundles>
// kernel: kernel.3.cloned.1.call-start
scs
__scs_entry_jumppad:
0x0: {  	(pc) =	sbr.rel $0x88, $3  }
0x1: {  	(tag) =	ssettag $0x0;
	lr =	simm.s32 $0x1  }
0x2: {  	[smem:$0x3F9E] =	sst lr;
	_ =	strace $0xD0000000  }
0x3: {  	_ = 	snop  }
0x4: {  	_ = 	snop  }
0x5: {  	_ = 	snop  }
0x6: {  	_ = 	snop  }
0x7: {  	_ = 	snop  }
__scs_overlays_trampoline_lowered:
0x8: {  	[smem:$0x3FAD] =	sst s0  }
0x9: {  	[smem:$0x3FAE] =	sst s1  }
0xa: {  	[smem:$0x3FAF] =	sst s2  }
0xb: {  	[smem:$0x3FB0] =	sst s3  }
0xc: {  	[smem:$0x3FB1] =	sst s4  }
0xd: {  	[smem:$0x3FB2] =	sst s5  }
0xe: {  	[smem:$0x3FB3] =	sst s6  }
0xf: {  	[smem:$0x3FB4] =	sst s7  }
0x10: {  	[smem:$0x3FB5] =	sst s8  }
0x11: {  	[smem:$0x3FB6] =	sst s9;
	s0 =	simm.s32 @!p0 $0x0  }
0x12: {  	s1 =	sld [smem:$0x3F9C];
	s0 =	simm.s32 @p0 $0x1  }
0x13: {  	[smem:$0x3FB7] =	sst s0;
	s0 =	simm.s32 @!p1 $0x0  }
0x14: {  	s2 =	sld [smem:$0x3F9B];
	s0 =	simm.s32 @p1 $0x1  }
0x15: {  	[smem:$0x3FB8] =	sst s0;
	s0 =	simm.s32 @!p2 $0x0  }
0x16: {  	s3 =	sld [smem:$0x3FDB];
	s0 =	simm.s32 @p2 $0x1  }
0x17: {  	s4 =	simm.s32 $0x1BF5;
	[smem:$0x3FBA] =	sst s0  }
0x18: {  	s0 =	sld [smem:$0x3F9D];
	_ =	swait.ge [sflag:s4], $0x0  }
0x19: {  	s7 =	sld [smem:$0x3F9E]  }
0x1a: {  	s8 =	sadd.s32 $0xFFFFE003, lr  }
0x1b: {  	s9 =	sadd.s32 $0xFFFFFEF7, lr;
	s5 =	simm.s32 $0xFFFFFFFF;
	p2 =	slt.u32 s8, $0xFFFFF086  }
0x1c: {  	p1 =	slt.u32 s9, $0xF7A;
	s5 =	simm.s32 @!p2 $0x0  }
0x1d: {  	s5 =	simm.s32 @p1 $0x1;
	p0 =	seq.s32 s7, s2  }
0x1e: {  	s7 =	smul.u32 @!p0 $0xF7A, s2;
	p2 =	seq.s32 @!p0 s5, $0x0  }
0x1f: {  	s9 =	smul.u32 $0xF7A, s1;
	s8 =	simm.s32 @!p0 $0x1BF5;
	p2 =	por !p2, p0  }
0x20: {  	[sflag:s8] =	ssyncset.s32 @!p0 $0xFFFFF086;
	s6 =	sadd.s32 @!p0 s3, s7;
	s7 =	simm.s32 @!p0 $0x108  }
0x21: {  	s3 =	sadd.s32 s3, s9;
	s6 =	sadd.s32 @!p0 $0x88, s6;
	s7 =	simm.s32 @p2 $0x1082  }
0x22: {  	[simem:s7], [sflag:s8] =	dma.local @!p0 [hbm:s6], $0xF7A  }
0x23: {  	s9 =	sor.u32 $0xD0000000, s2;
	s6 =	simm.s32 $0x108;
	_ =	swait.ge @!p0 [sflag:s8], $0x0  }
0x24: {  	s3 =	sadd.s32 $0x88, s3;
	s6 =	simm.s32 @!p1 $0x1082;
	[sflag:s4] =	ssyncset.s32 $0xFFFFF086  }
0x25: {  	[simem:s6], [sflag:s4] =	dma.local [hbm:s3], $0xF7A  }
0x26: {  	[smem:$0x3F9E] =	sst s1;
	(tag) =	ssettag s2;
	_ =	strace s9  }
0x27: {  	s1 =	sld [smem:$0x3FAE]  }
0x28: {  	s2 =	sld [smem:$0x3FAF]  }
0x29: {  	s4 =	sld [smem:$0x3FB1]  }
0x2a: {  	p0 =	seq.s32 s5, $0x0;
	s5 =	sld [smem:$0x3FB2]  }
0x2b: {  	s6 =	sld [smem:$0x3FB3]  }
0x2c: {  	s7 =	sld [smem:$0x3FB4]  }
0x2d: {  	s3 =	simm.s32 $0x108;
	s8 =	sld [smem:$0x3FB5]  }
0x2e: {  	s3 =	simm.s32 @!p0 $0x1082;
	s9 =	sld [smem:$0x3FB6]  }
0x2f: {  	lr =	sadd.s32 s0, s3;
	s0 =	sld [smem:$0x3FAD]  }
0x30: {  	s3 =	sld [smem:$0x3FB0]  }
0x31: {  	[smem:$0x3FB9] =	sst s10  }
0x32: {  	s10 =	sld [smem:$0x3FB7];
	_ =	sdelay $0x3  }
0x33: {  	p0 =	seq.s32 s10, $0x1;
	s10 =	sld [smem:$0x3FB9];
	_ =	sdelay $0x3  }
0x34: {  	[smem:$0x3FB9] =	sst s10  }
0x35: {  	s10 =	sld [smem:$0x3FB8];
	_ =	sdelay $0x3  }
0x36: {  	p1 =	seq.s32 s10, $0x1;
	s10 =	sld [smem:$0x3FB9];
	_ =	sdelay $0x3  }
0x37: {  	[smem:$0x3FB9] =	sst s10  }
0x38: {  	s10 =	sld [smem:$0x3FBA]  }
0x39: {  	_ = 	snop;
	(pc) =	sbr.ind lr, $3  }
0x3a: {  	_ = 	snop  }
0x3b: {  	_ = 	snop  }
0x3c: {  	p2 =	seq.s32 s10, $0x1;
	s10 =	sld [smem:$0x3FB9]  }
0x3d: {  	_ =	shalt  }
0x3e: {  	_ =	shalt  }
0x3f: {  	_ =	shalt  }
0x40: {  	_ =	shalt  }
0x41: {  	_ =	shalt  }
0x42: {  	_ =	shalt  }
0x43: {  	_ =	shalt  }
0x44: {  	_ =	shalt  }
0x45: {  	_ =	shalt  }
0x46: {  	_ =	shalt  }
0x47: {  	_ =	shalt  }
0x48: {  	_ =	shalt  }
0x49: {  	_ =	shalt  }
0x4a: {  	_ =	shalt  }
0x4b: {  	_ =	shalt  }
0x4c: {  	_ =	shalt  }
0x4d: {  	_ =	shalt  }
0x4e: {  	_ =	shalt  }
0x4f: {  	_ =	shalt  }
0x50: {  	_ =	shalt  }
0x51: {  	_ =	shalt  }
0x52: {  	_ =	shalt  }
0x53: {  	_ =	shalt  }
0x54: {  	_ =	shalt  }
0x55: {  	_ =	shalt  }
0x56: {  	_ =	shalt  }
0x57: {  	_ =	shalt  }
0x58: {  	_ =	shalt  }
0x59: {  	_ =	shalt  }
0x5a: {  	_ =	shalt  }
0x5b: {  	_ =	shalt  }
0x5c: {  	_ =	shalt  }
0x5d: {  	_ =	shalt  }
0x5e: {  	_ =	shalt  }
0x5f: {  	_ =	shalt  }
0x60: {  	_ =	shalt  }
0x61: {  	_ =	shalt  }
0x62: {  	_ =	shalt  }
0x63: {  	_ =	shalt  }
0x64: {  	_ =	shalt  }
0x65: {  	_ =	shalt  }
0x66: {  	_ =	shalt  }
0x67: {  	_ =	shalt  }
0x68: {  	_ =	shalt  }
0x69: {  	_ =	shalt  }
0x6a: {  	_ =	shalt  }
0x6b: {  	_ =	shalt  }
0x6c: {  	_ =	shalt  }
0x6d: {  	_ =	shalt  }
0x6e: {  	_ =	shalt  }
0x6f: {  	_ =	shalt  }
0x70: {  	_ =	shalt  }
0x71: {  	_ =	shalt  }
0x72: {  	_ =	shalt  }
0x73: {  	_ =	shalt  }
0x74: {  	_ =	shalt  }
0x75: {  	_ =	shalt  }
0x76: {  	_ =	shalt  }
0x77: {  	_ =	shalt  }
0x78: {  	_ =	shalt  }
0x79: {  	_ =	shalt  }
0x7a: {  	_ =	shalt  }
0x7b: {  	_ =	shalt  }
0x7c: {  	_ =	shalt  }
0x7d: {  	_ =	shalt  }
0x7e: {  	_ =	shalt  }
0x7f: {  	_ =	shalt  }
0x80: {  	_ =	shalt  }
0x81: {  	_ =	shalt  }
0x82: {  	_ =	shalt  }
0x83: {  	_ =	shalt  }
0x84: {  	_ =	shalt  }
0x85: {  	_ =	shalt  }
0x86: {  	_ =	shalt  }
0x87: {  	_ =	shalt  }
.Lfunc_end0:
.L_simem_size_0:
called_computation_lowered:
.L_overlay_start_0:
0x88: {  	s2 =	sld [smem:$0x3FD9]  }
0x89: {  	s3 =	sld [smem:$0x3FFE];
	_ =	sdelay $0x1  }
0x8a: {  	s1 =	srdreg.scid  }
0x8b: {  	s0 =	sand.u32 $0x1, s1  }
0x8c: {  	s17 =	sshll.u32 s0, $0xA;
	s2 =	sadd.s32 s3, s2  }
0x8d: {  	s2 =	sadd.s32 s2, s17  }
0x8e: {  	[smem:$0x3FC5] =	sst s2  }
0x8f: {  	_ = 	snop  }
0x90: {  	s2 =	sld [smem:$0x3FC9]  }
0x91: {  	s18 =	sld [smem:$0x3FD0];
	(tm) =	ssettm $0x1  }
0x92: {  	s4 =	sld [smem:$0x3FFB];
	_ =	sdelay $0x3  }
0x93: {  	_ =	strace s4  }
0x94: {  	s4 =	sld [smem:$0x3FFC];
	_ =	sdelay $0x3  }
0x95: {  	_ =	strace s4  }
0x96: {  	s4 =	sld [smem:$0x3FFD];
	_ =	sdelay $0x3  }
0x97: {  	_ =	strace s4  }
0x98: {  	_ =	strace $0x8FFFFFFF  }
0x99: {  	s19 =	sld [smem:$0x3FDB];
	_ =	sdelay $0x1  }
0x9a: {  	s5 =	simm.s32 $_scs_section_size  }
0x9b: {  	s6 =	simm.s32 $_size__tile_overlayer_lowered;
	s7 =	simm.s32 $_tile_overlayer_lowered  }
0x9c: {  	s22 =	simm.s32 $0x1BFF;
	s21 =	sshll.u32 s7, $0x1;
	s4 =	sadd.s32 s5, s19  }
0x9d: {  	s8 =	simm.s32 $0x0;
	s20 =	sshll.u32 s6, $0x1;
	s6 =	sadd.s32 s21, s4  }
0x9e: {  	[timem:s8], [sflag:s22] =	dma.local [hbm:s6], s20  }
0x9f: {  	_ =	swait.ge [sflag:s22], s20  }
0xa0: {  	s5 =	ssub.s32 $0x0, s20;
	[sflag:s22] =	ssyncset.done $0x0  }
0xa1: {  	[sflag:s22] =	ssyncadd.s32 s5;
	_ =	sdelay $0x1  }
0xa2: {  	s23 =	simm.s32 $0x1B8B  }
0xa3: {  	_ =	swait.ge [sflag:s23], $0x1  }
0xa4: {  	[sflag:s23] =	ssyncset.done $0x0  }
0xa5: {  	s25 =	simm.s32 $0x1B8E;
	s24 =	sld [smem:$0x3FFE];
	[sflag:s23] =	ssyncadd.s32 $0xFFFFFFFF  }
0xa6: {  	s26 =	simm.s32 $execute0_lowered;
	[smem:$0x3FD2] =	sst s25  }
0xa7: {  	s6 =	sshll.u32 s26, $0x1;
	_ =	strace $0x80000046;
	[dreg:$0x1] =	wrdreg $0xFFFFFFFF  }
0xa8: {  	s28 =	simm.s32 $_size_execute0_lowered;
	s4 =	sadd.s32 s4, s6;
	[dreg:$0x0] =	wrdreg $0x0  }
0xa9: {  	s6 =	sshll.u32 s28, $0x1;
	[dreg:$0x2] =	wrdreg s4  }
0xaa: {  	[dreg:$0x3] =	wrdreg s6  }
0xab: {  	[dreg:$0x4] =	wrdreg $0xC0  }
0xac: {  	_ =	task [dreg:s8], $0x5FFFF  }
0xad: {  	[dreg:$0x1] =	wrdreg $0xFFFFFFFF  }
0xae: {  	[dreg:$0x0] =	wrdreg $0x60  }
0xaf: {  	[dreg:$0x2] =	wrdreg s2  }
0xb0: {  	[dreg:$0x3] =	wrdreg s24  }
0xb1: {  	[dreg:$0x4] =	wrdreg s18  }
0xb2: {  	[dreg:$0x5] =	wrdreg $0x9  }
0xb3: {  	_ =	task.clear_ibuf [dreg:s8], $0x6FFFF;
	_ =	strace $0x90000046  }
0xb4: {  	s29 =	simm.s32 $0x9;
	_ =	strace $0x80000048  }
0xb5: {  	_ =	swait.ge [sflag:s29], $0x1  }
0xb6: {  	[sflag:s29] =	ssyncadd.s32 $0xFFFFFFFF  }
0xb7: {  	_ =	strace $0x90000048  }
0xb8: {  	_ =	sfence  }
0xb9: {  	s30 =	sld [smem:$0x0];
	_ =	sdelay $0x2  }
0xba: {  	s31 =	sshll.u32 s1, $0xD;
	s1 =	sshrl.u32 s1, $0x2  }
0xbb: {  	s3 =	sand.u32 $0x4000, s31;
	s1 =	sadd.s32 s1, s30  }
0xbc: {  	s0 =	sor.u32 s3, s0;
	s1 =	sshll.u32 s1, $0x11  }
0xbd: {  	s0 =	sor.u32 s1, s0  }
0xbe: {  	s0 =	sadd.s32 $0x8F2B, s0  }
0xbf: {  	[sflag:s0] =	ssyncadd.remote.s32 $0x1  }
0xc0: {  	_ =	sfence.sel $0xFFFF  }
0xc1: {  	[dreg:$0x0] =	wrdreg $0xFFFFFFFF;
	(pc) =	sbr.abs _section_cstart, $3  }
0xc2: {  	[dreg:$0x1] =	wrdreg $0xFFFFFFFF  }
0xc3: {  	_ =	task.clear_ibuf [dreg:s8], $0x2FFFF;
	_ =	strace $0x9FFFFFFF  }
0xc4: {  	(tm) =	ssettm $0x7FFFFFFF  }
0xc5: {  	_ =	shalt  }
tec
execute0_lowered:
.L_overlay_start_1:
0x0: {  	(tag) =	ssettag $0x1  }
0x1: {  	s0 =	rddreg [dreg:$0x0]  }
0x2: {  	s3 =	rddreg [dreg:$0x1]  }
0x3: {  	s7 =	rddreg [dreg:$0x2]  }
0x4: {  	s4 =	srdreg.scid;
	s1 =	stileid.u32;
	s2 =	simm.s32 $0x0  }
0x5: {  	s10 =	simm.s32 $0x11000;
	s11 =	simm.s32 $0x2;
	s12 =	simm.s32 $0x1  }
0x6: {  	s13 =	simm.s32 $0x10000;
	s4 =	sand.u32 $0x1, s4;
	s5 =	sshll.u32 s1, $0x1  }
0x7: {  	v0 =	vlaneseq.u32;
	s15 =	simm.s32 $0x0;
	[smem:$0x7FF] =	sst s2;
	s8 =	sor.u32 s4, s5  }
0x8: {  	vm0 =	vmmov $0x1;
	vm1 =	vmmov $0x3;
	vm2 =	vmmov $0x7;
	s30 =	sadd.s32 $0x600, s3;
	s6 =	ssub.s32 $0x2, s4;
	s5 =	sshll.u32 s8, $0x10  }
0x9: {  	vm3 =	vmmov $0xf;
	vm4 =	vmmov $0x1f;
	vm5 =	vmmov $0x3f;
	_ =	strace $0x80000047;
	[dreg:$0x4] =	wrdreg s30;
	s4 =	sadd.s32 s0, s5  }
0xa: {  	vm6 =	vmmov $0x7f;
	vm7 =	vmmov $0xff;
	vm8 =	vmmov $0x1ff;
	s29 =	sshrl.u32 s6, $0x1;
	s31 =	sshll.u32 s8, $0x6;
	s0 =	sadd.s32 $0x1000, s4  }
0xb: {  	vm9 =	vmmov $0x3ff;
	vm10 =	vmmov $0x7ff;
	vm11 =	vmmov $0xfff;
	s9 =	ssub.s32 s6, s29;
	[dreg:$0x5] =	wrdreg s0;
	s0 =	sadd.s32 s7, s31  }
0xc: {  	vm12 =	vmmov $0x1fff;
	vm13 =	vmmov $0x3fff;
	vm14 =	vmmov $0x7fff;
	s6 =	sadd.s32 $0x2000, s4;
	s8 =	smax.u32 s9, $0x1;
	[dreg:$0x6] =	wrdreg s0  }
.LBB2_1:
0xd: {  	[tilespmem:s2], [sflag:$0x1] =	stream.linear.gather [hbm4b:s4+s2], $0x8000, $0x38;
	[tilespmem:$0x11500] =	vst v63  }
0xe: {  	s0 =	rddreg [dreg:$0x5];
	s1 =	simm.s32 $0x8000  }
0xf: {  	v1 =	vmov s2;
	v2 =	vor.u32 s2, v0;
	[tilespmem:s1], [sflag:$0x1] =	stream.linear.gather [hbm4b:s0+s2], $0x8000, $0x38;
	[tilespmem:$0x11500] =	vst v63  }
0x10: {  	s29 =	rddreg [dreg:$0x4];
	v1 =	vshrl.u32 v1, $0x6;
	v2 =	vand.u32 $0x3F, v2  }
0x11: {  	v3 =	vsub.s32 v2, v1;
	[tilespmem:s10], [sflag:$0x2] =	stream.linear.gather [hbm4b:s29+s2], $0x100, $0x38;
	[tilespmem:$0x11500] =	vst v63  }
0x12: {  	v3 =	vand.u32 $0x7F, v3;
	_ =	swait.ge [sflag:s11], $0x100  }
0x13: {  	[sflag:s11] =	ssyncset.done $0x0  }
0x14: {  	v2 =	vmin.u32 v1, v2;
	[sflag:s11] =	ssyncadd.s32 $0xFFFFFF00  }
0x15: {  	v2 =	vsub.s32 $0x3E, v2;
	v1 =	vld.msk [tilespmem:$0x11080 ss:$0x0], $0xffff  }
0x16: {  	v2 =	vcvt.s32.f32 v2  }
0x17: {  	v3 =	vld.idx.msk [tilespmem:v3+s10+$0x0], $0xffff  }
0x18: {  	v2 =	vsub.f32 $2.000000000e+00, v2;
	_ =	sdelay $0x1  }
0x19: {  	v2 =	vmul.f32 v2, v1;
	_ =	sdelay $0x1  }
0x1a: {  	v2 =	vsub.f32 v3, v2;
	_ =	sdelay $0x1  }
0x1b: {  	v2 =	vmul.f32 $1.442695020e+00, v2;
	_ =	sdelay $0x1  }
0x1c: {  	(erf) = vpow2.f32 v2;
	_ =	sdelay $0x1  }
0x1d: {  	s30 =	simm.s32 $0x10  }
0x1e: {  	v3 =	vor.u32 s30, v0;
	v2 =	vmov s30  }
0x1f: {  	v3 =	vand.u32 $0x3F, v3;
	v2 =	vshrl.u32 v2, $0x6  }
0x20: {  	v4 =	vsub.s32 v3, v2  }
0x21: {  	v4 =	vand.u32 $0x7F, v4;
	_ =	sdelay $0x1  }
0x22: {  	v2 =	vmin.u32 v2, v3  }
0x23: {  	v2 =	vsub.s32 $0x3E, v2;
	v3 =	vpop (erf)  }
0x24: {  	v2 =	vcvt.s32.f32 v2;
	[tilespmem:s13+$0x0] =	vst v3  }
0x25: {  	v3 =	vld.idx.msk [tilespmem:v4+s10+$0x0], $0xffff  }
0x26: {  	v2 =	vsub.f32 $2.000000000e+00, v2;
	_ =	sdelay $0x1  }
0x27: {  	v2 =	vmul.f32 v2, v1;
	_ =	sdelay $0x1  }
0x28: {  	v2 =	vsub.f32 v3, v2;
	_ =	sdelay $0x1  }
0x29: {  	v2 =	vmul.f32 $1.442695020e+00, v2;
	_ =	sdelay $0x1  }
0x2a: {  	(erf) = vpow2.f32 v2;
	_ =	sdelay $0x1  }
0x2b: {  	s31 =	simm.s32 $0x20  }
0x2c: {  	s16 =	simm.s32 $0x30;
	s0 =	simm.s32 $0x10000;
	v3 =	vor.u32 s31, v0;
	v2 =	vmov s31  }
.LBB2_2:
0x2d: {  	p0 =	sne.s32 s16, $0xFF0;
	v2 =	vshrl.u32 v2, $0x6;
	v3 =	vand.u32 $0x3F, v3  }
0x2e: {  	v4 =	vsub.s32 v3, v2  }
0x2f: {  	v4 =	vand.u32 $0x7F, v4;
	_ =	sdelay $0x2  }
0x30: {  	s0 =	sadd.s32 $0x10, s0;
	v2 =	vmin.u32 v2, v3;
	v3 =	vpop (erf)  }
0x31: {  	v2 =	vsub.s32 $0x3E, v2;
	[tilespmem:s0+$0x0] =	vst v3  }
0x32: {  	v2 =	vcvt.s32.f32 v2;
	v3 =	vld.idx.msk [tilespmem:v4+s10+$0x0], $0xffff;
	_ =	sdelay $0x1  }
0x33: {  	v2 =	vsub.f32 $2.000000000e+00, v2;
	_ =	sdelay $0x1  }
0x34: {  	v2 =	vmul.f32 v2, v1;
	_ =	sdelay $0x1  }
0x35: {  	v2 =	vsub.f32 v3, v2;
	_ =	sdelay $0x1  }
0x36: {  	v2 =	vmul.f32 $1.442695020e+00, v2  }
.Ltmp0:
0x37: {  	(pc) =	sbr.rel @p0 .LBB2_2-.Ltmp0, $2  }
0x38: {  	(erf) = vpow2.f32 v2;
	_ =	sdelay $0x2  }
0x39: {  	v3 =	vor.u32 s16, v0;
	v2 =	vmov s16;
	s16 =	sadd.s32 $0x10, s16  }
0x3a: {  	v2 =	vshrl.u32 v2, $0x6;
	v3 =	vand.u32 $0x3F, v3  }
0x3b: {  	v4 =	vsub.s32 v3, v2  }
0x3c: {  	v4 =	vand.u32 $0x7F, v4;
	_ =	sdelay $0x1  }
0x3d: {  	v2 =	vmin.u32 v2, v3  }
0x3e: {  	s0 =	sadd.s32 $0x10, s0;
	v2 =	vsub.s32 $0x3E, v2;
	v3 =	vpop (erf)  }
0x3f: {  	v2 =	vcvt.s32.f32 v2;
	[tilespmem:s0+$0x0] =	vst v3  }
0x40: {  	v3 =	vld.idx.msk [tilespmem:v4+s10+$0x0], $0xffff  }
0x41: {  	v2 =	vsub.f32 $2.000000000e+00, v2;
	_ =	sdelay $0x1  }
0x42: {  	v1 =	vmul.f32 v2, v1;
	_ =	sdelay $0x1  }
0x43: {  	v1 =	vsub.f32 v3, v1;
	_ =	sdelay $0x1  }
0x44: {  	v1 =	vmul.f32 $1.442695020e+00, v1;
	_ =	sdelay $0x1  }
0x45: {  	(erf) = vpow2.f32 v1;
	_ =	sdelay $0x8  }
0x46: {  	s0 =	sadd.s32 $0x10, s0;
	v1 =	vpop (erf)  }
0x47: {  	s16 =	simm.s32 $0x0;
	[tilespmem:s0+$0x0] =	vst v1  }
.LBB2_4:
0x48: {  	_ =	swait.ge [sflag:s12], $0x8000  }
0x49: {  	s0 =	sshll.u32 s16, $0xF;
	[sflag:s12] =	ssyncset.done $0x0  }
0x4a: {  	s18 =	simm.s32 $0x0;
	s17 =	sand.u32 $0x8000, s0;
	[sflag:s12] =	ssyncadd.s32 $0xFFFF8000  }
.LBB2_5:
0x4b: {  	s0 =	sshll.u32 s18, $0xE;
	s19 =	simm.s32 $0x0  }
0x4c: {  	s0 =	sshra.s32 s0, $0x2;
	s20 =	sand.u32 $0xFFFFFF80, s19  }
0x4d: {  	s19 =	sadd.s32 s17, s0;
	s3 =	sadd.s32 $0x0, s20  }
0x4e: {  	s20 =	sadd.s32 $0xC00, s19;
	s23 =	sand.u32 $0x380, s3  }
0x4f: {  	s24 =	sand.u32 $0x60, s3;
	s5 =	sadd.s32 s23, s20  }
0x50: {  	s21 =	sadd.s32 $0x400, s19;
	s0 =	sadd.s32 s24, s5  }
0x51: {  	s25 =	simm.s32 $0x0;
	s22 =	sadd.s32 $0x800, s19;
	s26 =	sadd.s32 s23, s21;
	v1 =	vld [tilespmem:s0+$0x0]  }
0x52: {  	s28 =	sand.u32 $0x380, s25;
	s29 =	sadd.s32 s23, s22;
	s26 =	sadd.s32 s24, s26;
	v2 =	vld [tilespmem:s0+$0x80]  }
0x53: {  	s7 =	sadd.s32 $0x0, s28;
	s28 =	sadd.s32 s24, s29;
	v3 =	vld [tilespmem:s26+$0x80]  }
0x54: {  	v4 =	vld [tilespmem:s28+$0x80]  }
0x55: {  	s23 =	sadd.s32 s23, s19;
	v5 =	vld [tilespmem:s28+$0x0]  }
0x56: {  	s23 =	sadd.s32 s24, s23;
	v12 =	vld [tilespmem:s26+$0x0]  }
0x57: {  	v14 =	vld [tilespmem:s23+$0x0];
	_ =	sdelay $0x1  }
0x58: {  	s25 =	sand.u32 $0x60, s25;
	s0 =	sand.u32 $0x380, s7;
	v1 =	vmul.f32 $6.300000000e+01, v1  }
0x59: {  	s25 =	sor.u32 $0x10, s25;
	s29 =	sadd.s32 s0, s19;
	v2 =	vmul.f32 $6.300000000e+01, v2;
	v3 =	vmul.f32 $6.300000000e+01, v3  }
0x5a: {  	s28 =	sadd.s32 s25, s29;
	v4 =	vmul.f32 $6.300000000e+01, v4;
	v5 =	vmul.f32 $6.300000000e+01, v5  }
0x5b: {  	s29 =	sadd.s32 s0, s21;
	v7 =	vld [tilespmem:s28+$0x80];
	v12 =	vmul.f32 $6.300000000e+01, v12;
	v14 =	vmul.f32 $6.300000000e+01, v14  }
0x5c: {  	s30 =	sadd.s32 s0, s22;
	s31 =	sadd.s32 s0, s20;
	s29 =	sadd.s32 s25, s29;
	v8 =	vld [tilespmem:s28+$0x0];
	v1 =	vtrunc.f32 v1;
	v2 =	vtrunc.f32 v2  }
0x5d: {  	s0 =	sadd.s32 s25, s30;
	s28 =	simm.s32 $0x20;
	s25 =	sadd.s32 s25, s31;
	v9 =	vld [tilespmem:s29+$0x80];
	v4 =	vtrunc.f32 v4;
	v5 =	vtrunc.f32 v5  }
0x5e: {  	s28 =	sand.u32 $0xFFFFFF80, s28;
	v10 =	vld [tilespmem:s25+$0x0];
	v12 =	vtrunc.f32 v12;
	v14 =	vtrunc.f32 v14  }
0x5f: {  	v17 =	vld [tilespmem:s29+$0x0];
	s28 =	sadd.s32 $0x20, s28;
	v11 =	vcvt.f32.s32 v2;
	v2 =	vtrunc.f32 v3  }
0x60: {  	s9 =	sand.u32 $0x380, s28;
	v6 =	vcvt.f32.s32 v4;
	v4 =	vmul.f32 $6.300000000e+01, v7  }
0x61: {  	s14 =	sand.u32 $0x60, s28;
	s28 =	sadd.s32 s9, s20;
	v3 =	vld [tilespmem:s0+$0x80];
	v5 =	vcvt.f32.s32 v5;
	v25 =	vcvt.f32.s32 v1  }
0x62: {  	v7 =	vld [tilespmem:s25+$0x80];
	s1 =	sadd.s32 s14, s28;
	v14 =	vcvt.f32.s32 v14;
	v13 =	vcvt.f32.s32 v2  }
0x63: {  	s3 =	sadd.s32 s9, s21;
	v2 =	vmul.f32 $6.300000000e+01, v8;
	v8 =	vld [tilespmem:s1+$0x0];
	v9 =	vmul.f32 $6.300000000e+01, v9  }
0x64: {  	s5 =	sadd.s32 s9, s22;
	s24 =	sadd.s32 s14, s3;
	v15 =	vld [tilespmem:s1+$0x80];
	v10 =	vmul.f32 $6.300000000e+01, v10;
	v21 =	vmul.f32 $6.300000000e+01, v17  }
0x65: {  	s25 =	sadd.s32 s14, s5;
	v16 =	vld [tilespmem:s24+$0x80];
	v4 =	vtrunc.f32 v4;
	v2 =	vtrunc.f32 v2  }
0x66: {  	v18 =	vld [tilespmem:s25+$0x80];
	v9 =	vtrunc.f32 v9;
	v10 =	vtrunc.f32 v10  }
0x67: {  	s28 =	simm.s32 $0x20;
	v23 =	vld [tilespmem:s24+$0x0];
	v22 =	vcvt.f32.s32 v4;
	v21 =	vtrunc.f32 v21  }
0x68: {  	s7 =	sand.u32 $0x380, s28;
	v2 =	vcvt.f32.s32 v2;
	v29 =	vcvt.f32.s32 v10  }
0x69: {  	s29 =	sadd.s32 s9, s19;
	s9 =	sadd.s32 $0x20, s7;
	v3 =	vmul.f32 $6.300000000e+01, v3;
	v7 =	vmul.f32 $6.300000000e+01, v7  }
0x6a: {  	v19 =	vld [tilespmem:s23+$0x80];
	s28 =	sand.u32 $0x60, s28;
	s26 =	sand.u32 $0x380, s9;
	v8 =	vmul.f32 $6.300000000e+01, v8;
	v15 =	vmul.f32 $6.300000000e+01, v15  }
0x6b: {  	v24 =	vld [tilespmem:s0+$0x0];
	s23 =	sadd.s32 s14, s29;
	s14 =	sor.u32 $0x10, s28;
	s30 =	sadd.s32 s26, s19;
	v20 =	vmul.f32 $6.300000000e+01, v16;
	v18 =	vmul.f32 $6.300000000e+01, v18  }
0x6c: {  	v34 =	vld [tilespmem:s23+$0x0];
	s1 =	sadd.s32 s14, s30;
	v23 =	vmul.f32 $6.300000000e+01, v23;
	v3 =	vtrunc.f32 v3  }
0x6d: {  	s29 =	simm.s32 $0x40;
	s28 =	sadd.s32 s26, s22;
	v26 =	vld [tilespmem:s1+$0x80];
	v7 =	vtrunc.f32 v7;
	v17 =	vtrunc.f32 v8  }
0x6e: {  	s5 =	sadd.s32 s14, s28;
	s28 =	sand.u32 $0xFFFFFF80, s29;
	v8 =	vcvt.f32.s32 v12;
	v12 =	vld [tilespmem:s25+$0x0];
	v15 =	vtrunc.f32 v15  }
0x6f: {  	s3 =	sadd.s32 s26, s21;
	v28 =	vshll.u32 v2, $0x6;
	s7 =	sadd.s32 $0x40, s28;
	v20 =	vtrunc.f32 v20;
	v2 =	vtrunc.f32 v18;
	v18 =	vld [tilespmem:s5+$0x80]  }
0x70: {  	v30 =	vshll.u32 v5, $0x6;
	s26 =	sadd.s32 s26, s20;
	s28 =	sand.u32 $0x380, s7;
	s25 =	sadd.s32 s14, s3;
	v1 =	vcvt.f32.s32 v15;
	v15 =	vmul.f32 $6.300000000e+01, v19;
	v19 =	vld [tilespmem:s1+$0x0]  }
0x71: {  	v25 =	vshll.u32 v25, $0x6;
	s24 =	sadd.s32 s14, s26;
	s26 =	sand.u32 $0x60, s7;
	s29 =	sadd.s32 s28, s20;
	v7 =	vcvt.f32.s32 v7;
	v35 =	vcvt.f32.s32 v3;
	v27 =	vld [tilespmem:s25+$0x80]  }
0x72: {  	v6 =	vadd.s32 v6, v30;
	v2 =	vcvt.f32.s32 v2;
	s29 =	sadd.s32 s26, s29;
	v10 =	vcvt.f32.s32 v20;
	v20 =	vld [tilespmem:s25+$0x0]  }
0x73: {  	v11 =	vadd.s32 v11, v25;
	v25 =	vld [tilespmem:s29+$0x0];
	v15 =	vtrunc.f32 v15;
	v26 =	vmul.f32 $6.300000000e+01, v26  }
0x74: {  	v36 =	vld [tilespmem:s29+$0x80];
	v15 =	vcvt.f32.s32 v15;
	v5 =	vmul.f32 $6.300000000e+01, v12  }
0x75: {  	v16 =	vld [tilespmem:s23+$0x80];
	v18 =	vmul.f32 $6.300000000e+01, v18;
	v62 =	vtrunc.f32 v26  }
0x76: {  	v31 =	vld [tilespmem:s24+$0x0];
	s30 =	sadd.s32 s28, s19;
	v8 =	vshll.u32 v8, $0x6;
	v19 =	vmul.f32 $6.300000000e+01, v19;
	v27 =	vmul.f32 $6.300000000e+01, v27  }
0x77: {  	v39 =	vld.idx.msk [tilespmem:v6+s13+$0x0], $0xffff;
	s23 =	sadd.s32 s26, s30;
	v8 =	vadd.s32 v13, v8;
	v30 =	vmul.f32 $6.300000000e+01, v20;
	v20 =	vcvt.f32.s32 v62  }
0x78: {  	v14 =	vshll.u32 v14, $0x6;
	s9 =	sadd.s32 s28, s21;
	v3 =	vld [tilespmem:s23+$0x80];
	v32 =	vtrunc.f32 v5;
	v5 =	vmul.f32 $6.300000000e+01, v24  }
0x79: {  	s14 =	sadd.s32 s28, s22;
	v12 =	vld [tilespmem:s24+$0x80];
	s24 =	sadd.s32 s26, s9;
	v15 =	vadd.s32 v15, v14;
	v61 =	vmul.f32 $6.300000000e+01, v25;
	v36 =	vmul.f32 $6.300000000e+01, v36  }
0x7a: {  	s25 =	sadd.s32 s26, s14;
	v13 =	vld [tilespmem:s24+$0x80];
	v24 =	vshll.u32 v29, $0x6;
	v25 =	vmul.f32 $6.300000000e+01, v34;
	v19 =	vtrunc.f32 v19  }
0x7b: {  	v29 =	vld [tilespmem:s25+$0x80];
	v24 =	vadd.s32 v7, v24;
	v7 =	vmul.f32 $6.300000000e+01, v31;
	v33 =	vtrunc.f32 v5  }
0x7c: {  	s1 =	simm.s32 $0x40;
	v31 =	vadd.s32 v22, v28;
	v37 =	vld.idx.msk [tilespmem:v8+s13+$0x0], $0xffff;
	v5 =	vtrunc.f32 v27;
	v22 =	vcvt.f32.s32 v19  }
0x7d: {  	s3 =	sand.u32 $0x380, s1;
	v27 =	vld.idx.msk [tilespmem:v11+s13+$0x0], $0xffff;
	v11 =	vcvt.f32.s32 v9;
	v9 =	vtrunc.f32 v18  }
0x7e: {  	v18 =	vld [tilespmem:s5+$0x0];
	s5 =	sadd.s32 $0x40, s3;
	v8 =	vshll.u32 v22, $0x6;
	v22 =	vmul.f32 $6.300000000e+01, v12;
	v12 =	vcvt.f32.s32 v21  }
0x7f: {  	v19 =	vtrunc.f32 v7;
	v14 =	vcvt.f32.s32 v33;
	v7 =	vld [tilespmem:s24+$0x0];
	s0 =	sand.u32 $0x380, s5;
	s24 =	sand.u32 $0x60, s1  }
0x80: {  	v34 =	vmul.f32 $6.300000000e+01, v16;
	v21 =	vld [tilespmem:s25+$0x0];
	v28 =	vmul.f32 $6.300000000e+01, v13;
	s28 =	sor.u32 $0x10, s24;
	s7 =	sadd.s32 s0, s19;
	v12 =	vshll.u32 v12, $0x6  }
0x81: {  	v13 =	vtrunc.f32 v23;
	v26 =	vld.idx.msk [tilespmem:v15+s13+$0x0], $0xffff;
	v38 =	vshll.u32 v14, $0x6;
	s29 =	sadd.s32 s28, s7;
	v40 =	vadd.s32 v11, v12  }
0x82: {  	v14 =	vcvt.f32.s32 v32;
	v32 =	vmul.f32 $6.300000000e+01, v29;
	v23 =	vadd.s32 v35, v38;
	v29 =	vld [tilespmem:s29+$0x80]  }
0x83: {  	v4 =	vimm.f32 $0.0e+00;
	v25 =	vtrunc.f32 v25;
	v6 =	vtrunc.f32 v61;
	v11 =	vld.idx.msk [tilespmem:v24+s13+$0x0], $0xffff  }
0x84: {  	s26 =	simm.s32 $0x4;
	v16 =	vadd.f32 v39, v4;
	v63 =	vtrunc.f32 v36;
	s9 =	sadd.s32 s0, s21;
	s14 =	sadd.s32 s0, s22;
	v12 =	vld.idx.msk [tilespmem:v31+s13+$0x0], $0xffff;
	v24 =	vcvt.f32.s32 v13  }
0x85: {  	s0 =	sadd.s32 s0, s20;
	s25 =	sadd.s32 s28, s9;
	s24 =	sadd.s32 s28, s14;
	v15 =	vadd.f32 v37, v4;
	v14 =	vshll.u32 v14, $0x6;
	v13 =	vadd.f32 v27, v4;
	v27 =	vld [tilespmem:s29+$0x0]  }
0x86: {  	s31 =	sadd.s32 s28, s0;
	s28 =	simm.s32 $0x6;
	v31 =	vcvt.f32.s32 v17;
	s29 =	simm.s32 $0x60;
	v33 =	vshll.u32 v24, $0x6;
	v24 =	vcvt.f32.s32 v63;
	v17 =	vld.idx.msk [tilespmem:v40+s13+$0x0], $0xffff  }
.LBB2_6:
0x87: {  	s0 =	sand.u32 $0x380, s29;
	s30 =	sshll.u32 s28, $0x4;
	s26 =	sadd.s32 $0x2, s26;
	v33 =	vadd.s32 v10, v33;
	v30 =	vtrunc.f32 v30;
	v22 =	vtrunc.f32 v22;
	v23 =	vld.idx.msk [tilespmem:v23+s13+$0x0], $0xffff  }
0x88: {  	v10 =	vtrunc.f32 v28;
	v31 =	vshll.u32 v31, $0x6;
	s30 =	sand.u32 $0xFFFFFF80, s30;
	s0 =	sadd.s32 s0, s29;
	p0 =	slt.u32 s26, $0x1E;
	v28 =	vld [tilespmem:s25+$0x80];
	v34 =	vtrunc.f32 v34  }
0x89: {  	s1 =	sand.u32 $0x60, s29;
	v32 =	vtrunc.f32 v32;
	v19 =	vcvt.f32.s32 v19;
	v31 =	vadd.s32 v1, v31;
	v1 =	vmovc v24;
	s30 =	sadd.s32 s30, s29;
	s0 =	sand.u32 $0x380, s0;
	v35 =	vld [tilespmem:s24+$0x80]  }
0x8a: {  	v21 =	vmul.f32 $6.300000000e+01, v21;
	v25 =	vcvt.f32.s32 v25;
	v4 =	vadd.f32 v26, v4;
	s9 =	sand.u32 $0x380, s30;
	s14 =	sand.u32 $0x60, s30;
	s30 =	sadd.s32 s0, s20;
	v24 =	vld [tilespmem:s31+$0x80]  }
0x8b: {  	v26 =	vcvt.f32.s32 v32;
	v19 =	vshll.u32 v19, $0x6;
	v29 =	vmul.f32 $6.300000000e+01, v29;
	s3 =	sadd.s32 s9, s19;
	s5 =	sadd.s32 s9, s22;
	s7 =	sadd.s32 s9, s20;
	v32 =	vld [tilespmem:s31+$0x0]  }
0x8c: {  	v13 =	vadd.f32 v11, v13;
	v10 =	vcvt.f32.s32 v10;
	v27 =	vmul.f32 $6.300000000e+01, v27;
	s9 =	sadd.s32 s9, s21;
	s31 =	sor.u32 $0x10, s1;
	s7 =	sadd.s32 s14, s7;
	v36 =	vld [tilespmem:s25+$0x0]  }
0x8d: {  	v18 =	vmul.f32 $6.300000000e+01, v18;
	v37 =	vtrunc.f32 v21;
	s1 =	sadd.s32 s14, s3;
	s3 =	sadd.s32 s14, s9;
	s5 =	sadd.s32 s14, s5;
	v16 =	vadd.f32 v23, v16;
	v11 =	vld [tilespmem:s7+$0x0]  }
0x8e: {  	v22 =	vcvt.f32.s32 v22;
	v21 =	vtrunc.f32 v27;
	v15 =	vadd.f32 v17, v15;
	v23 =	vld [tilespmem:s3+$0x80]  }
0x8f: {  	v18 =	vtrunc.f32 v18;
	v4 =	vadd.f32 v12, v4;
	v27 =	vmul.f32 $6.300000000e+01, v28;
	v17 =	vld [tilespmem:s5+$0x80]  }
0x90: {  	v38 =	vadd.s32 v22, v19;
	v28 =	vmul.f32 $6.300000000e+01, v35;
	v35 =	vcvt.f32.s32 v9;
	v12 =	vld [tilespmem:s23+$0x0];
	s23 =	smov.u32 s1  }
0x91: {  	v25 =	vshll.u32 v25, $0x6;
	v22 =	vcvt.f32.s32 v34;
	s1 =	sadd.s32 s0, s21;
	v19 =	vmul.f32 $6.300000000e+01, v32;
	v39 =	vld [tilespmem:s7+$0x80]  }
0x92: {  	v20 =	vadd.s32 v20, v8;
	v32 =	vcvt.f32.s32 v5;
	v5 =	vtrunc.f32 v27;
	s25 =	sadd.s32 s31, s1;
	v31 =	vld.idx.msk [tilespmem:v31+s13+$0x0], $0xffff  }
0x93: {  	v14 =	vadd.s32 v2, v14;
	v2 =	vmovc v26;
	v8 =	vcvt.f32.s32 v21;
	v9 =	vtrunc.f32 v28;
	v40 =	vld [tilespmem:s23+$0x80]  }
0x94: {  	v18 =	vcvt.f32.s32 v18;
	v26 =	vadd.s32 v22, v25;
	v19 =	vtrunc.f32 v19;
	v33 =	vld.idx.msk [tilespmem:v33+s13+$0x0], $0xffff  }
0x95: {  	v8 =	vshll.u32 v8, $0x6;
	v22 =	vmul.f32 $6.300000000e+01, v24;
	v24 =	vcvt.f32.s32 v30;
	v27 =	vld [tilespmem:s3+$0x0]  }
0x96: {  	v7 =	vmul.f32 $6.300000000e+01, v7;
	v41 =	vshll.u32 v18, $0x6;
	s1 =	sadd.s32 s0, s22;
	v34 =	vmul.f32 $6.300000000e+01, v11;
	v21 =	vld [tilespmem:s5+$0x0]  }
0x97: {  	v29 =	vtrunc.f32 v29;
	s0 =	sadd.s32 s0, s19;
	v24 =	vshll.u32 v24, $0x6;
	v11 =	vcvt.f32.s32 v37;
	v18 =	vld [tilespmem:s24+$0x0];
	s24 =	sadd.s32 s31, s1  }
0x98: {  	s0 =	sadd.s32 s31, s0;
	v42 =	vadd.s32 v32, v24;
	v12 =	vmul.f32 $6.300000000e+01, v12;
	v37 =	vmul.f32 $6.300000000e+01, v39;
	v39 =	vld.idx.msk [tilespmem:v14+s13+$0x0], $0xffff  }
0x99: {  	v24 =	vtrunc.f32 v7;
	v28 =	vmul.f32 $6.300000000e+01, v23;
	v14 =	vshll.u32 v11, $0x6;
	v11 =	vld.idx.msk [tilespmem:v38+s13+$0x0], $0xffff  }
.Ltmp1:
0x9a: {  	v30 =	vmul.f32 $6.300000000e+01, v36;
	v23 =	vadd.s32 v35, v41;
	v25 =	vtrunc.f32 v12;
	v12 =	vld.idx.msk [tilespmem:v20+s13+$0x0], $0xffff;
	v7 =	vmovc v27;
	(pc) =	sbr.rel @p0 .LBB2_6-.Ltmp1, $4  }
0x9b: {  	v24 =	vcvt.f32.s32 v24;
	v34 =	vtrunc.f32 v34;
	s31 =	sadd.s32 s31, s30;
	v13 =	vadd.f32 v31, v13;
	v26 =	vld.idx.msk [tilespmem:v26+s13+$0x0], $0xffff  }
0x9c: {  	v35 =	vtrunc.f32 v37;
	v15 =	vadd.f32 v33, v15;
	v20 =	vcvt.f32.s32 v29;
	v27 =	vld [tilespmem:s0+$0x0]  }
0x9d: {  	v32 =	vmul.f32 $6.300000000e+01, v17;
	v31 =	vcvt.f32.s32 v6;
	v6 =	vmovc v34;
	v33 =	vshll.u32 v24, $0x6;
	v29 =	vld [tilespmem:s0+$0x80]  }
0x9e: {  	s28 =	sadd.s32 $0x2, s28;
	s29 =	sadd.s32 $0x20, s29;
	v34 =	vmul.f32 $6.300000000e+01, v3;
	v3 =	vmovc v40;
	v24 =	vcvt.f32.s32 v35;
	v16 =	vadd.f32 v39, v16;
	v17 =	vld.idx.msk [tilespmem:v42+s13+$0x0], $0xffff  }
0x9f: {  	v30 =	vtrunc.f32 v30  }
0xa0: {  	v22 =	vtrunc.f32 v22;
	v28 =	vtrunc.f32 v28  }
0xa1: {  	v32 =	vtrunc.f32 v32;
	v19 =	vcvt.f32.s32 v19  }
0xa2: {  	v21 =	vmul.f32 $6.300000000e+01, v21;
	v25 =	vcvt.f32.s32 v25  }
0xa3: {  	v18 =	vmul.f32 $6.300000000e+01, v18;
	v9 =	vcvt.f32.s32 v9  }
0xa4: {  	v10 =	vadd.s32 v10, v33;
	v5 =	vcvt.f32.s32 v5;
	v7 =	vmul.f32 $6.300000000e+01, v7  }
0xa5: {  	v31 =	vshll.u32 v31, $0x6;
	v6 =	vcvt.f32.s32 v6;
	v3 =	vmul.f32 $6.300000000e+01, v3  }
0xa6: {  	v8 =	vadd.s32 v20, v8;
	v34 =	vtrunc.f32 v34;
	v32 =	vcvt.f32.s32 v32  }
0xa7: {  	v35 =	vld [tilespmem:s25+$0x80];
	v2 =	vadd.s32 v2, v14;
	v28 =	vcvt.f32.s32 v28;
	v22 =	vcvt.f32.s32 v22  }
0xa8: {  	v36 =	vld [tilespmem:s24+$0x80];
	v1 =	vadd.s32 v1, v31;
	v30 =	vcvt.f32.s32 v30;
	v27 =	vmul.f32 $6.300000000e+01, v27  }
0xa9: {  	v63 =	vld [tilespmem:s31+$0x0];
	v4 =	vadd.f32 v26, v4;
	v21 =	vtrunc.f32 v21;
	v18 =	vtrunc.f32 v18  }
0xaa: {  	v38 =	vld [tilespmem:s31+$0x80];
	v19 =	vshll.u32 v19, $0x6;
	v41 =	vcvt.f32.s32 v34;
	v7 =	vtrunc.f32 v7  }
0xab: {  	v42 =	vld [tilespmem:s23+$0x0];
	v25 =	vshll.u32 v25, $0x6;
	v3 =	vtrunc.f32 v3;
	v29 =	vmul.f32 $6.300000000e+01, v29  }
0xac: {  	v46 =	vld [tilespmem:s25+$0x0];
	v6 =	vshll.u32 v6, $0x6;
	v18 =	vcvt.f32.s32 v18;
	v21 =	vcvt.f32.s32 v21  }
0xad: {  	v48 =	vld [tilespmem:s24+$0x0];
	v19 =	vadd.s32 v22, v19;
	v7 =	vcvt.f32.s32 v7;
	v3 =	vcvt.f32.s32 v3  }
0xae: {  	v30 =	vshll.u32 v30, $0x6;
	v27 =	vtrunc.f32 v27;
	v37 =	vmul.f32 $6.300000000e+01, v35  }
0xaf: {  	v6 =	vadd.s32 v24, v6;
	v39 =	vmul.f32 $6.300000000e+01, v36;
	v40 =	vmul.f32 $6.300000000e+01, v63  }
0xb0: {  	v25 =	vadd.s32 v41, v25;
	v43 =	vcvt.f32.s32 v27;
	v31 =	vmul.f32 $6.300000000e+01, v38  }
0xb1: {  	v5 =	vadd.s32 v5, v30;
	v29 =	vtrunc.f32 v29;
	v47 =	vmul.f32 $6.300000000e+01, v42  }
0xb2: {  	v18 =	vshll.u32 v18, $0x6;
	v22 =	vmul.f32 $6.300000000e+01, v46;
	v52 =	vmul.f32 $6.300000000e+01, v48  }
0xb3: {  	v23 =	vld.idx.msk [tilespmem:v23+s13+$0x0], $0xffff;
	v21 =	vshll.u32 v21, $0x6;
	v50 =	vcvt.f32.s32 v29;
	v26 =	vtrunc.f32 v37  }
0xb4: {  	v7 =	vshll.u32 v7, $0x6;
	v10 =	vld.idx.msk [tilespmem:v10+s13+$0x0], $0xffff;
	v44 =	vtrunc.f32 v39;
	v45 =	vtrunc.f32 v40  }
0xb5: {  	v2 =	vld.idx.msk [tilespmem:v2+s13+$0x0], $0xffff;
	v9 =	vadd.s32 v9, v18;
	v49 =	vtrunc.f32 v47;
	v22 =	vtrunc.f32 v22  }
0xb6: {  	v8 =	vld.idx.msk [tilespmem:v8+s13+$0x0], $0xffff;
	v7 =	vadd.s32 v28, v7;
	v53 =	vtrunc.f32 v31;
	v24 =	vtrunc.f32 v52  }
0xb7: {  	v1 =	vld.idx.msk [tilespmem:v1+s13+$0x0], $0xffff;
	v21 =	vadd.s32 v32, v21;
	v51 =	vcvt.f32.s32 v49;
	v14 =	vcvt.f32.s32 v45  }
0xb8: {  	v20 =	vshll.u32 v43, $0x6;
	v19 =	vld.idx.msk [tilespmem:v19+s13+$0x0], $0xffff;
	v22 =	vcvt.f32.s32 v22;
	v26 =	vcvt.f32.s32 v26  }
0xb9: {  	v24 =	vcvt.f32.s32 v24;
	v27 =	vcvt.f32.s32 v44;
	v6 =	vld.idx.msk [tilespmem:v6+s13+$0x0], $0xffff;
	v28 =	vshll.u32 v51, $0x6  }
0xba: {  	v18 =	vadd.s32 v50, v20;
	v25 =	vld.idx.msk [tilespmem:v25+s13+$0x0], $0xffff;
	v54 =	vshll.u32 v22, $0x6;
	v3 =	vadd.s32 v3, v28  }
0xbb: {  	v55 =	vcvt.f32.s32 v53;
	v5 =	vld.idx.msk [tilespmem:v5+s13+$0x0], $0xffff;
	v24 =	vshll.u32 v24, $0x6;
	v20 =	vadd.s32 v26, v54  }
0xbc: {  	v56 =	vshll.u32 v14, $0x6;
	v9 =	vld.idx.msk [tilespmem:v9+s13+$0x0], $0xffff;
	v57 =	vadd.s32 v27, v24  }
0xbd: {  	v4 =	vadd.f32 v12, v4;
	v15 =	vadd.f32 v17, v15;
	v7 =	vld.idx.msk [tilespmem:v7+s13+$0x0], $0xffff;
	v12 =	vadd.s32 v55, v56  }
0xbe: {  	v11 =	vadd.f32 v11, v13;
	v16 =	vadd.f32 v23, v16;
	v58 =	vld.idx.msk [tilespmem:v21+s13+$0x0], $0xffff  }
0xbf: {  	v10 =	vadd.f32 v10, v15;
	v3 =	vld.idx.msk [tilespmem:v3+s13+$0x0], $0xffff  }
0xc0: {  	v2 =	vadd.f32 v2, v16;
	v1 =	vadd.f32 v1, v11;
	v60 =	vld.idx.msk [tilespmem:v20+s13+$0x0], $0xffff  }
0xc1: {  	v4 =	vadd.f32 v25, v4;
	v5 =	vadd.f32 v5, v10;
	v61 =	vld.idx.msk [tilespmem:v57+s13+$0x0], $0xffff  }
0xc2: {  	v1 =	vadd.f32 v19, v1;
	v2 =	vadd.f32 v9, v2;
	v62 =	vld.idx.msk [tilespmem:v12+s13+$0x0], $0xffff  }
0xc3: {  	v59 =	vld.idx.msk [tilespmem:v18+s13+$0x0], $0xffff;
	v4 =	vadd.f32 v8, v4;
	v63 =	vadd.f32 v7, v5  }
0xc4: {  	s0 =	sshll.u32 s18, $0x6;
	s18 =	sadd.s32 $0x1, s18;
	v1 =	vadd.f32 v6, v1;
	v2 =	vadd.f32 v58, v2  }
0xc5: {  	p0 =	sne.s32 s18, $0x8;
	v3 =	vadd.f32 v3, v4;
	v4 =	vadd.f32 v60, v63  }
.Ltmp2:
0xc6: {  	s0 =	sand.u32 $0x3FFFFFC0, s0;
	v2 =	vadd.f32 v61, v2;
	(pc) =	sbr.rel @p0 .LBB2_5-.Ltmp2, $4  }
0xc7: {  	v1 =	vadd.f32 v62, v1;
	[tilespmem:s0+$0x11310] =	vst v4  }
0xc8: {  	v3 =	vadd.f32 v59, v3;
	[tilespmem:s0+$0x11320] =	vst v2  }
0xc9: {  	[tilespmem:s0+$0x11330] =	vst v1  }
0xca: {  	[tilespmem:s0+$0x11300] =	vst v3  }
0xcb: {  	v1 =	vld [tilespmem:$0x11300]  }
0xcc: {  	v2 =	vld [tilespmem:$0x11310]  }
0xcd: {  	v3 =	vld [tilespmem:$0x11320]  }
0xce: {  	v4 =	vld [tilespmem:$0x11330]  }
0xcf: {  	v5 =	vld [tilespmem:$0x11340]  }
0xd0: {  	(xrf2) =	vadd.scan.msk.f32 $0xffff, v1;
	v1 =	vld [tilespmem:$0x11350]  }
0xd1: {  	(xrf2) =	vadd.scan.msk.f32 $0xffff, v2;
	v2 =	vld [tilespmem:$0x11360]  }
0xd2: {  	(xrf2) =	vadd.scan.msk.f32 $0xffff, v3;
	v3 =	vld [tilespmem:$0x11370]  }
0xd3: {  	v26 =	vld [tilespmem:$0x11380];
	(xrf2) =	vadd.scan.msk.f32 $0xffff, v4  }
0xd4: {  	v27 =	vld [tilespmem:$0x11390];
	(xrf2) =	vadd.scan.msk.f32 $0xffff, v5  }
0xd5: {  	(xrf2) =	vadd.scan.msk.f32 $0xffff, v1;
	v1 =	vld [tilespmem:$0x113A0]  }
0xd6: {  	(xrf2) =	vadd.scan.msk.f32 $0xffff, v2;
	v2 =	vld [tilespmem:$0x113B0]  }
0xd7: {  	(xrf2) =	vadd.scan.msk.f32 $0xffff, v3;
	v3 =	vld [tilespmem:$0x113C0]  }
0xd8: {  	v28 =	vld [tilespmem:$0x113D0];
	(xrf2) =	vadd.scan.msk.f32 $0xffff, v26  }
0xd9: {  	(xrf2) =	vadd.scan.msk.f32 $0xffff, v27  }
0xda: {  	v29 =	vld [tilespmem:$0x113E0];
	v6, _, _ =	vpop (xrf2);
	(xrf2) =	vadd.scan.msk.f32 $0xffff, v1  }
0xdb: {  	v1, _, _ =	vpop (xrf2);
	(xrf2) =	vadd.scan.msk.f32 $0xffff, v2  }
0xdc: {  	v2 =	vbroadcast v6, $0xF;
	v1 =	vbroadcast v1, $0xF;
	v30, _, _ =	vpop (xrf2);
	(xrf2) =	vadd.scan.msk.f32 $0xffff, v3  }
0xdd: {  	v3 =	vld [tilespmem:$0x113F0];
	v6 =	vbroadcast v30, $0xF;
	v7, _, _ =	vpop (xrf2);
	(xrf2) =	vadd.scan.msk.f32 $0xffff, v28  }
0xde: {  	v1 =	vsel vm0, v2, v1;
	v2 =	vbroadcast v7, $0xF;
	v31, _, _ =	vpop (xrf2)  }
0xdf: {  	(xrf2) =	vadd.scan.msk.f32 $0xffff, v29;
	v1 =	vsel vm1, v1, v6;
	v4 =	vbroadcast v31, $0xF;
	v32, _, _ =	vpop (xrf2)  }
0xe0: {  	v1 =	vsel vm2, v1, v2;
	v2 =	vbroadcast v32, $0xF;
	v33, _, _ =	vpop (xrf2)  }
0xe1: {  	v1 =	vsel vm3, v1, v4;
	v34 =	vbroadcast v33, $0xF;
	v35, _, _ =	vpop (xrf2)  }
0xe2: {  	(xrf2) =	vadd.scan.msk.f32 $0xffff, v3;
	v1 =	vsel vm4, v1, v2;
	v2 =	vbroadcast v35, $0xF;
	v3, _, _ =	vpop (xrf2)  }
0xe3: {  	v1 =	vsel vm5, v1, v34;
	v3 =	vbroadcast v3, $0xF;
	v36, _, _ =	vpop (xrf2)  }
0xe4: {  	v1 =	vsel vm6, v1, v2;
	v2 =	vbroadcast v36, $0xF;
	v37, _, _ =	vpop (xrf2)  }
0xe5: {  	v1 =	vsel vm7, v1, v3;
	v3 =	vbroadcast v37, $0xF;
	v38, _, _ =	vpop (xrf2)  }
0xe6: {  	v1 =	vsel vm8, v1, v2;
	v2 =	vbroadcast v38, $0xF;
	v39, _, _ =	vpop (xrf2)  }
0xe7: {  	v1 =	vsel vm9, v1, v3;
	v40, _, _ =	vpop (xrf2)  }
0xe8: {  	v3 =	vbroadcast v39, $0xF;
	v1 =	vsel vm10, v1, v2;
	v2 =	vbroadcast v40, $0xF  }
0xe9: {  	v41, _, _ =	vpop (xrf2)  }
0xea: {  	v1 =	vsel vm11, v1, v3;
	v3 =	vbroadcast v41, $0xF  }
0xeb: {  	v1 =	vsel vm12, v1, v2  }
0xec: {  	s0 =	sshll.u32 s16, $0x5;
	v1 =	vsel vm13, v1, v3;
	v2, _, _ =	vpop (xrf2)  }
0xed: {  	s0 =	sand.u32 $0x3FFFFFE0, s0;
	v1 =	vsel vm14, v1, v2  }
0xee: {  	[tilespmem:s0+$0x11100] =	vst v1  }
0xef: {  	v1 =	vld [tilespmem:$0x11400]  }
0xf0: {  	v2 =	vld [tilespmem:$0x11410]  }
0xf1: {  	v3 =	vld [tilespmem:$0x11420]  }
0xf2: {  	v42 =	vld [tilespmem:$0x11430]  }
0xf3: {  	v43 =	vld [tilespmem:$0x11440]  }
0xf4: {  	(xrf2) =	vadd.scan.msk.f32 $0xffff, v1;
	v1 =	vld [tilespmem:$0x11450]  }
0xf5: {  	(xrf2) =	vadd.scan.msk.f32 $0xffff, v2;
	v2 =	vld [tilespmem:$0x11460]  }
0xf6: {  	(xrf2) =	vadd.scan.msk.f32 $0xffff, v3;
	v3 =	vld [tilespmem:$0x11470]  }
0xf7: {  	v44 =	vld [tilespmem:$0x11480];
	(xrf2) =	vadd.scan.msk.f32 $0xffff, v42  }
0xf8: {  	v45 =	vld [tilespmem:$0x11490];
	(xrf2) =	vadd.scan.msk.f32 $0xffff, v43  }
0xf9: {  	(xrf2) =	vadd.scan.msk.f32 $0xffff, v1;
	v1 =	vld [tilespmem:$0x114A0]  }
0xfa: {  	(xrf2) =	vadd.scan.msk.f32 $0xffff, v2;
	v2 =	vld [tilespmem:$0x114B0]  }
0xfb: {  	(xrf2) =	vadd.scan.msk.f32 $0xffff, v3;
	v3 =	vld [tilespmem:$0x114C0]  }
0xfc: {  	v46 =	vld [tilespmem:$0x114D0];
	(xrf2) =	vadd.scan.msk.f32 $0xffff, v44  }
0xfd: {  	(xrf2) =	vadd.scan.msk.f32 $0xffff, v45  }
0xfe: {  	v47 =	vld [tilespmem:$0x114E0];
	v48, _, _ =	vpop (xrf2);
	(xrf2) =	vadd.scan.msk.f32 $0xffff, v1  }
0xff: {  	v1, _, _ =	vpop (xrf2);
	(xrf2) =	vadd.scan.msk.f32 $0xffff, v2  }
0x100: {  	v2 =	vbroadcast v48, $0xF;
	v1 =	vbroadcast v1, $0xF;
	v49, _, _ =	vpop (xrf2);
	(xrf2) =	vadd.scan.msk.f32 $0xffff, v3  }
0x101: {  	v3 =	vld [tilespmem:$0x114F0];
	v50, _, _ =	vpop (xrf2);
	(xrf2) =	vadd.scan.msk.f32 $0xffff, v46;
	v51 =	vbroadcast v49, $0xF  }
0x102: {  	v1 =	vsel vm0, v2, v1;
	v2 =	vbroadcast v50, $0xF;
	v52, _, _ =	vpop (xrf2)  }
0x103: {  	(xrf2) =	vadd.scan.msk.f32 $0xffff, v47;
	v53, _, _ =	vpop (xrf2);
	v1 =	vsel vm1, v1, v51;
	v54 =	vbroadcast v52, $0xF  }
0x104: {  	v55, _, _ =	vpop (xrf2);
	v1 =	vsel vm2, v1, v2;
	v2 =	vbroadcast v53, $0xF  }
0x105: {  	v1 =	vsel vm3, v1, v54;
	v56 =	vbroadcast v55, $0xF;
	v57, _, _ =	vpop (xrf2)  }
0x106: {  	(xrf2) =	vadd.scan.msk.f32 $0xffff, v3;
	v3, _, _ =	vpop (xrf2);
	v1 =	vsel vm4, v1, v2;
	v2 =	vbroadcast v57, $0xF  }
0x107: {  	v58, _, _ =	vpop (xrf2);
	v1 =	vsel vm5, v1, v56;
	v3 =	vbroadcast v3, $0xF  }
0x108: {  	v59, _, _ =	vpop (xrf2);
	v1 =	vsel vm6, v1, v2;
	v2 =	vbroadcast v58, $0xF  }
0x109: {  	v60, _, _ =	vpop (xrf2);
	v1 =	vsel vm7, v1, v3;
	v3 =	vbroadcast v59, $0xF  }
0x10a: {  	v61, _, _ =	vpop (xrf2);
	v1 =	vsel vm8, v1, v2;
	v2 =	vbroadcast v60, $0xF  }
0x10b: {  	v62, _, _ =	vpop (xrf2);
	v1 =	vsel vm9, v1, v3  }
0x10c: {  	v3 =	vbroadcast v61, $0xF;
	v1 =	vsel vm10, v1, v2;
	v2 =	vbroadcast v62, $0xF  }
0x10d: {  	v63, _, _ =	vpop (xrf2)  }
0x10e: {  	v1 =	vsel vm11, v1, v3;
	v3 =	vbroadcast v63, $0xF  }
0x10f: {  	v1 =	vsel vm12, v1, v2  }
0x110: {  	p0 =	sgt.u32 s16, $0xD;
	v1 =	vsel vm13, v1, v3;
	v2, _, _ =	vpop (xrf2)  }
0x111: {  	s1 =	sshll.u32 @!p0 s16, $0xC;
	v1 =	vsel vm14, v1, v2  }
0x112: {  	s16 =	sadd.s32 $0x1, s16;
	[tilespmem:s0+$0x11110] =	vst v1;
	s0 =	sadd.s32 @!p0 s1, s6;
	s1 =	simm.s32 @!p0 $0x0  }
0x113: {  	[tilespmem:s17], [sflag:$0x1] =	stream.linear.gather @!p0 [hbm4b:s0+s1], $0x8000, $0x38;
	[tilespmem:$0x11500] =	vst v63  }
0x114: {  	p0 =	sne.s32 s16, $0x10  }
.Ltmp3:
0x115: {  	_ = 	snop;
	(pc) =	sbr.rel @p0 .LBB2_4-.Ltmp3, $1  }
0x116: {  	_ =	sdelay $0x3  }
0x117: {  	s15 =	sadd.s32 $0x1, s15  }
0x118: {  	p0 =	sne.s32 s15, s8  }
.Ltmp4:
0x119: {  	s0 =	rddreg [dreg:$0x6];
	s1 =	simm.s32 $0x11100;
	(pc) =	sbr.rel @p0 .LBB2_1-.Ltmp4, $4  }
0x11a: {  	[hbm4b:s0+s2] =	stream.linear.scatter [tilespmem:s1], [sflag:$0x2], $0x200, $0x38;
	[tilespmem:$0x11500] =	vst v63  }
0x11b: {  	_ =	swait.ge [sflag:s11], $0x200  }
0x11c: {  	[sflag:s11] =	ssyncset.done $0x0  }
0x11d: {  	[sflag:s11] =	ssyncadd.s32 $0xFFFFFE00  }
0x11e: {  	_ =	sfence.sel $0x180000  }
0x11f: {  	[bflag:$0x0] =	sbarrier.arrive $0xFFFF  }
0x120: {  	_ =	strace $0x90000047  }
0x121: {  	s0 =	stileid.u32;
	[bflag:$0x2] =	sbarrier.arrive $0xFFFF  }
0x122: {  	p0 =	sne.s32 s0, $0x0;
	s0 =	rddreg [dreg:$0x3]  }
0x123: {  	s0 =	sadd.s32 @!p0 $0x100000, s0  }
0x124: {  	[sflag:s0] =	ssyncadd.tile.s32 @!p0 $0x1;
	_ =	shalt  }
.Lfunc_end2:
_tile_overlayer_lowered:
.L_overlay_start_2:
0x125: {  	(tag) =	ssettag $0x2  }
0x126: {  	s0 =	rddreg [dreg:$0x0];
	s2 =	stileid.u32  }
0x127: {  	s1 =	rddreg [dreg:$0x1];
	p0 =	sne.s32 s2, $0x0  }
0x128: {  	s3 =	rddreg [dreg:$0x2];
	[bflag:$0x3] =	sbarrier.arrive $0xFFFF;
	s2 =	simm.s32 @!p0 $0x1C02  }
0x129: {  	[timem:s3], [sflag:s2] =	dma.local @!p0 [hbm:s0], s1  }
0x12a: {  	s0 =	simm.s32 @!p0 $0x2  }
0x12b: {  	_ =	swait.ge @!p0 [sflag:s0], s1  }
0x12c: {  	s1 =	ssub.s32 @!p0 $0x0, s1;
	[sflag:s0] =	ssyncset.done @!p0 $0x0  }
0x12d: {  	[sflag:s0] =	ssyncadd.s32 @!p0 s1  }
0x12e: {  	[bflag:$0x3] =	sbarrier.arrive $0xFFFF  }
0x12f: {  	_ =	shalt  }

</sc_bundles>
